<compile_context>
chip_gen: v7x
topology: tpu7x:2x2x1
jax: 0.10.2.dev20260603
libtpu: 0.0.44.dev20260713+nightly
codegen_flags: <defaults>
</compile_context>

<pallas_src>
import functools

import jax
import jax.numpy as jnp
from jax.experimental import pallas as pl
from jax.experimental.pallas import tpu as pltpu

N = 100000
E = 1600000
D = 128
T = 12
B = 2000
H = 128

K = 256
NB = (N + K - 1) // K
L = 2560
TP = 16
SL = 16
SLP = 24


def _body(off_ref, dest_ref, fl_ref, off8_ref,
          x_ref, r_ref, a_ref, ab_ref,
          fc1w_ref, fc1b_ref, fc2w_ref, fc2b_ref, fc3w_ref, fc3b_ref,
          outw_ref, outb_ref,
          out_ref, mol_scr, c_scr):
    i = pl.program_id(0)

    @pl.when(i == 0)
    def _init():
        mol_scr[...] = jnp.zeros_like(mol_scr)

    row = i * K + jax.lax.broadcasted_iota(jnp.int32, (K, 1), 0)
    x = jnp.where(row < N, x_ref[...], 0.0)
    s = jax.nn.sigmoid(x @ a_ref[...] + ab_ref[...])
    s = jnp.where(row < N, s, 0.0)

    y = jnp.concatenate([s[:, t:t + 1] * x for t in range(T)], axis=1)
    y = y.astype(jnp.bfloat16)

    r_row = r_ref[0]
    jcol = jax.lax.broadcasted_iota(jnp.int32, (K, 1), 0)
    m_t = (jcol == r_row).astype(jnp.bfloat16)
    c_scr[...] = jnp.dot(m_t, y, preferred_element_type=jnp.float32)

    base = off_ref[i]
    nd = off_ref[i + 1] - base

    @pl.when(fl_ref[i] == 1)
    def _fast():
        b8 = pl.multiple_of(off8_ref[i] * 8, 8)
        mol_scr[pl.ds(b8, SLP), :] += c_scr[:SLP, :]

    @pl.when(fl_ref[i] == 0)
    def _slow():
        def sbody(j, _):
            d = dest_ref[base + j]
            mol_scr[pl.ds(d, 1), :] += c_scr[pl.ds(j, 1), :]
            return 0

        jax.lax.fori_loop(0, nd, sbody, 0)

    @pl.when(i == NB - 1)
    def _heads():
        for t in range(T):
            mt = mol_scr[:B, t * D:(t + 1) * D]
            h = jnp.maximum(mt @ fc1w_ref[t] + fc1b_ref[t:t + 1, :], 0.0)
            h = jnp.maximum(h @ fc2w_ref[t] + fc2b_ref[t:t + 1, :], 0.0)
            h = jnp.maximum(h @ fc3w_ref[t] + fc3b_ref[t:t + 1, :], 0.0)
            p = h @ outw_ref[..., t:t + 1] + outb_ref[0, t]
            out_ref[:, t:t + 1] = p


@functools.partial(jax.jit, static_argnames=())
def kernel(node_feats, etype, graph_ids, atom_W, atom_b, fc1_W, fc1_b,
           fc2_W, fc2_b, fc3_W, fc3_b, out_W, out_b):
    del etype
    g = graph_ids.astype(jnp.int32)

    first = jnp.concatenate([jnp.ones((1,), jnp.bool_), g[1:] != g[:-1]])
    f2 = jnp.concatenate(
        [first, jnp.zeros((NB * K - N,), jnp.bool_)]).reshape(NB, K)
    f2 = f2 | (jax.lax.broadcasted_iota(jnp.int32, (NB, K), 1) == 0)
    rc = jnp.cumsum(f2.astype(jnp.int32), axis=1)
    r2 = rc - 1
    nd_b = rc[:, -1]
    off = jnp.concatenate([jnp.zeros((1,), jnp.int32),
                           jnp.cumsum(nd_b)]).astype(jnp.int32)
    slotf = (r2 + off[:-1, None]).reshape(-1)
    dest = g[jnp.clip(jnp.searchsorted(slotf, jnp.arange(L, dtype=jnp.int32),
                                       side="left"), 0, N - 1)]
    bad = (dest[1:] - dest[:-1]) != 1
    cb = jnp.concatenate([jnp.zeros((1,), jnp.int32),
                          jnp.cumsum(bad.astype(jnp.int32))])
    anybad = cb[jnp.maximum(off[1:] - 1, off[:-1])] - cb[off[:-1]]
    fl = ((anybad == 0) & (nd_b <= SL)).astype(jnp.int32)
    d0_b = dest[off[:-1]]
    d0a_b = (d0_b // 8) * 8
    q_b = jnp.where(fl == 1, d0_b - d0a_b, 0)
    off8 = (d0a_b // 8).astype(jnp.int32)
    r3 = (r2 + q_b[:, None]).reshape(NB, 1, K)

    a_pad = jnp.zeros((D, TP), jnp.float32).at[:, :T].set(atom_W[:, :, 0].T)
    ab_pad = jnp.zeros((1, TP), jnp.float32).at[0, :T].set(atom_b[:, 0])
    outw = out_W[:, :, 0].T
    outb = out_b[:, 0][None, :]

    grid_spec = pltpu.PrefetchScalarGridSpec(
        num_scalar_prefetch=4,
        grid=(NB,),
        in_specs=[
            pl.BlockSpec((K, D), lambda i, *_: (i, 0)),
            pl.BlockSpec((1, 1, K), lambda i, *_: (i, 0, 0)),
            pl.BlockSpec((D, TP), lambda i, *_: (0, 0)),
            pl.BlockSpec((1, TP), lambda i, *_: (0, 0)),
            pl.BlockSpec((T, D, H), lambda i, *_: (0, 0, 0)),
            pl.BlockSpec((T, H), lambda i, *_: (0, 0)),
            pl.BlockSpec((T, H, H), lambda i, *_: (0, 0, 0)),
            pl.BlockSpec((T, H), lambda i, *_: (0, 0)),
            pl.BlockSpec((T, H, H), lambda i, *_: (0, 0, 0)),
            pl.BlockSpec((T, H), lambda i, *_: (0, 0)),
            pl.BlockSpec((H, T), lambda i, *_: (0, 0)),
            pl.BlockSpec((1, T), lambda i, *_: (0, 0)),
        ],
        out_specs=pl.BlockSpec((B, T), lambda i, *_: (0, 0)),
        scratch_shapes=[
            pltpu.VMEM((B + SLP, T * D), jnp.float32),
            pltpu.VMEM((K, T * D), jnp.float32),
        ],
    )
    return pl.pallas_call(
        _body,
        grid_spec=grid_spec,
        out_shape=jax.ShapeDtypeStruct((B, T), jnp.float32),
        compiler_params=pltpu.CompilerParams(
            dimension_semantics=("arbitrary",)),
    )(off, dest, fl, off8, node_feats, r3, a_pad, ab_pad,
      fc1_W, fc1_b, fc2_W, fc2_b, fc3_W, fc3_b, outw, outb)

# --- scband reference (transcript-rebuilt; emitter-appended) ---
"""Pipeline reference for scband-base-gnn-43920335569014 (READ-ONLY COPY).

The authoritative reference and input builder live on the scoring server;
editing this copy changes nothing except your own understanding.
"""

import jax, jax.numpy as jnp
import numpy as np

N = 100000
E = 1600000
D = 128
T = 12
B = 2000
H = 128


def setup_inputs(seed: int = 0) -> dict:
    key = jax.random.key(seed)
    ks = jax.random.split(key, 16)
    node_feats = jax.random.normal(ks[0], (N, D), dtype=jnp.float32)
    etype = jax.random.randint(ks[1], (E,), 0, 64, dtype=jnp.int64)
    graph_ids = jnp.sort(jax.random.randint(ks[2], (N,), 0, B, dtype=jnp.int64))
    sD = 1.0 / np.sqrt(D)
    sH = 1.0 / np.sqrt(H)
    atom_W = jax.random.normal(ks[3], (T, D, 1), dtype=jnp.float32) * sD
    atom_b = jnp.zeros((T, 1), dtype=jnp.float32)
    fc1_W = jax.random.normal(ks[4], (T, D, H), dtype=jnp.float32) * sD
    fc1_b = jnp.zeros((T, H), dtype=jnp.float32)
    fc2_W = jax.random.normal(ks[5], (T, H, H), dtype=jnp.float32) * sH
    fc2_b = jnp.zeros((T, H), dtype=jnp.float32)
    fc3_W = jax.random.normal(ks[6], (T, H, H), dtype=jnp.float32) * sH
    fc3_b = jnp.zeros((T, H), dtype=jnp.float32)
    out_W = jax.random.normal(ks[7], (T, H, 1), dtype=jnp.float32) * sH
    out_b = jnp.zeros((T, 1), dtype=jnp.float32)
    return {
        "node_feats": node_feats,
        "etype": etype,
        "graph_ids": graph_ids,
        "atom_W": atom_W,
        "atom_b": atom_b,
        "fc1_W": fc1_W,
        "fc1_b": fc1_b,
        "fc2_W": fc2_W,
        "fc2_b": fc2_b,
        "fc3_W": fc3_W,
        "fc3_b": fc3_b,
        "out_W": out_W,
        "out_b": out_b,
    }


def reference(node_feats, etype, graph_ids, atom_W, atom_b, fc1_W, fc1_b, fc2_W, fc2_b, fc3_W, fc3_b, out_W, out_b):
    # gnn_layers is an empty ModuleList in BaseGNN, so node_feats pass through
    # unchanged; etype/norm are unused by the readout + classifier heads.
    preds = []
    for i in range(T):
        # WeightAndSum: per-task atom attention (Linear -> sigmoid), then
        # weighted segment-sum readout over each graph in the batch.
        w = jax.nn.sigmoid(node_feats @ atom_W[i] + atom_b[i])  # [N, 1]
        weighted = w * node_feats                                 # [N, D]
        mol_feats = jax.ops.segment_sum(weighted, graph_ids, num_segments=B)  # [B, D]
        h1 = jax.nn.relu(mol_feats @ fc1_W[i] + fc1_b[i])
        h2 = jax.nn.relu(h1 @ fc2_W[i] + fc2_b[i])
        h3 = jax.nn.relu(h2 @ fc3_W[i] + fc3_b[i])
        preds.append(h3 @ out_W[i] + out_b[i])                    # [B, 1]
    return jnp.concatenate(preds, axis=1)                         # [B, T]

if __name__ == "__main__":
    import jax
    _d = setup_inputs()
    print(jax.jit(kernel)(*tuple(_d.values())))

</pallas_src>

<mosaic_0001>
module attributes {stable_mosaic.version = 14 : i64} {
  func.func @_body(%arg0: i32, %arg1: memref<392xi32, #tpu.memory_space<smem>>, %arg2: memref<2560xi32, #tpu.memory_space<smem>>, %arg3: memref<391xi32, #tpu.memory_space<smem>>, %arg4: memref<391xi32, #tpu.memory_space<smem>>, %arg5: memref<256x128xf32, #tpu.memory_space<vmem>>, %arg6: memref<1x1x256xi32, #tpu.memory_space<vmem>>, %arg7: memref<128x16xf32, #tpu.memory_space<vmem>>, %arg8: memref<1x16xf32, #tpu.memory_space<vmem>>, %arg9: memref<12x128x128xf32, #tpu.memory_space<vmem>>, %arg10: memref<12x128xf32, #tpu.memory_space<vmem>>, %arg11: memref<12x128x128xf32, #tpu.memory_space<vmem>>, %arg12: memref<12x128xf32, #tpu.memory_space<vmem>>, %arg13: memref<12x128x128xf32, #tpu.memory_space<vmem>>, %arg14: memref<12x128xf32, #tpu.memory_space<vmem>>, %arg15: memref<128x12xf32, #tpu.memory_space<vmem>>, %arg16: memref<1x12xf32, #tpu.memory_space<vmem>>, %arg17: memref<2000x12xf32, #tpu.memory_space<vmem>>, %arg18: memref<2024x1536xf32, #tpu.memory_space<vmem>>, %arg19: memref<256x1536xf32, #tpu.memory_space<vmem>>) attributes {dimension_semantics = [#tpu.dimension_semantics<arbitrary>], iteration_bounds = array<i64: 391>, scalar_prefetch = 4 : i64, scratch_operands = 2 : i64, tpu.core_type = #tpu.core_type<tc>, window_params = [{transform_indices = @transform_0, window_bounds = array<i64: 256, 128>}, {transform_indices = @transform_1, window_bounds = array<i64: 1, 1, 256>}, {pipeline_mode = #tpu.pipeline_mode<synchronous>, transform_indices = @transform_2, window_bounds = array<i64: 128, 16>}, {pipeline_mode = #tpu.pipeline_mode<synchronous>, transform_indices = @transform_3, window_bounds = array<i64: 1, 16>}, {pipeline_mode = #tpu.pipeline_mode<synchronous>, transform_indices = @transform_4, window_bounds = array<i64: 12, 128, 128>}, {pipeline_mode = #tpu.pipeline_mode<synchronous>, transform_indices = @transform_5, window_bounds = array<i64: 12, 128>}, {pipeline_mode = #tpu.pipeline_mode<synchronous>, transform_indices = @transform_6, window_bounds = array<i64: 12, 128, 128>}, {pipeline_mode = #tpu.pipeline_mode<synchronous>, transform_indices = @transform_7, window_bounds = array<i64: 12, 128>}, {pipeline_mode = #tpu.pipeline_mode<synchronous>, transform_indices = @transform_8, window_bounds = array<i64: 12, 128, 128>}, {pipeline_mode = #tpu.pipeline_mode<synchronous>, transform_indices = @transform_9, window_bounds = array<i64: 12, 128>}, {pipeline_mode = #tpu.pipeline_mode<synchronous>, transform_indices = @transform_10, window_bounds = array<i64: 128, 12>}, {pipeline_mode = #tpu.pipeline_mode<synchronous>, transform_indices = @transform_11, window_bounds = array<i64: 1, 12>}, {pipeline_mode = #tpu.pipeline_mode<synchronous>, transform_indices = @transform_12, window_bounds = array<i64: 2000, 12>}]} {
    %eq3A = arith.constant 0 : i32
    %eq3A_0 = arith.cmpi eq, %arg0, %eq3A : i32
    %convert_element_type3A = arith.extui %eq3A_0 : i1 to i32
    %cond3A = arith.constant 0 : i32
    %cond3A_1 = arith.cmpi ne, %convert_element_type3A, %cond3A : i32
    scf.if %cond3A_1 {
      %broadcast_in_dim3A_109 = arith.constant 0.000000e+00 : f32
      %broadcast_in_dim3A_110 = vector.broadcast %broadcast_in_dim3A_109 : f32 to vector<2024x1536xf32>
      %swap3A_111 = arith.constant 0 : index
      %swap3A_112 = arith.constant 0 : index
      %swap3A_113 = vector.load %arg18[%swap3A_111, %swap3A_112] : memref<2024x1536xf32, #tpu.memory_space<vmem>>, vector<2024x1536xf32>
      tpu.vector_store %arg18[%swap3A_111, %swap3A_112], %broadcast_in_dim3A_110 {strides = array<i32>} : memref<2024x1536xf32, #tpu.memory_space<vmem>>, vector<2024x1536xf32>,
    } else {
    }
    %mul3A = arith.constant 256 : i32
    %mul3A_2 = arith.muli %arg0, %mul3A : i32
    %iota3A = tpu.iota {dimensions = array<i32: 0>} : vector<256x1xi32>
    %add3A = vector.broadcast %mul3A_2 : i32 to vector<256x1xi32>
    %add3A_3 = arith.addi %add3A, %iota3A : vector<256x1xi32>
    %lt3A = arith.constant 100000 : i32
    %lt3A_4 = vector.broadcast %lt3A : i32 to vector<256x1xi32>
    %lt3A_5 = arith.cmpi slt, %add3A_3, %lt3A_4 : vector<256x1xi32>
    %get3A = arith.constant 0 : index
    %get3A_6 = arith.constant 0 : index
    %get3A_7 = vector.load %arg5[%get3A, %get3A_6] : memref<256x128xf32, #tpu.memory_space<vmem>>, vector<256x128xf32>
    %jit3A = arith.constant 0.000000e+00 : f32
    %broadcast_in_dim3A = vector.shape_cast %lt3A_5 : vector<256x1xi1> to vector<256x1xi1>
    %broadcast_in_dim3A_8 = vector.broadcast %broadcast_in_dim3A : vector<256x1xi1> to vector<256x128xi1>
    %broadcast_in_dim3A_9 = vector.broadcast %jit3A : f32 to vector<256x128xf32>
    %select_n3A = arith.select %broadcast_in_dim3A_8, %get3A_7, %broadcast_in_dim3A_9 : vector<256x128xi1>, vector<256x128xf32>
    %get3A_10 = arith.constant 0 : index
    %get3A_11 = arith.constant 0 : index
    %get3A_12 = vector.load %arg7[%get3A_10, %get3A_11] : memref<128x16xf32, #tpu.memory_space<vmem>>, vector<128x16xf32>
    %dot_general3A = arith.constant dense<0.000000e+00> : vector<256x16xf32>
    %dot_general3A_13 = tpu.matmul %select_n3A, %get3A_12, %dot_general3A {dimension_numbers = #tpu.dot_dimension_numbers<[1], [0], [0], [1], [0, 0, 1, 1], [], []>, transpose_lhs_hint = false} : vector<256x128xf32>, vector<128x16xf32>, vector<256x16xf32> -> vector<256x16xf32>
    %get3A_14 = arith.constant 0 : index
    %get3A_15 = arith.constant 0 : index
    %get3A_16 = vector.load %arg8[%get3A_14, %get3A_15] : memref<1x16xf32, #tpu.memory_space<vmem>>, vector<1x16xf32>
    %add3A_17 = vector.broadcast %get3A_16 : vector<1x16xf32> to vector<256x16xf32>
    %add3A_18 = arith.addf %dot_general3A_13, %add3A_17 : vector<256x16xf32>
    %logistic3A = arith.negf %add3A_18 : vector<256x16xf32>
    %logistic3A_19 = math.exp %logistic3A : vector<256x16xf32>
    %logistic3A_20 = arith.constant 1.000000e+00 : f32
    %logistic3A_21 = vector.broadcast %logistic3A_20 : f32 to vector<256x16xf32>
    %logistic3A_22 = arith.addf %logistic3A_21, %logistic3A_19 : vector<256x16xf32>
    %logistic3A_23 = arith.divf %logistic3A_21, %logistic3A_22 : vector<256x16xf32>
    %lt3A_24 = arith.constant 100000 : i32
    %lt3A_25 = vector.broadcast %lt3A_24 : i32 to vector<256x1xi32>
    %lt3A_26 = arith.cmpi slt, %add3A_3, %lt3A_25 : vector<256x1xi32>
    %jit3A_27 = arith.constant 0.000000e+00 : f32
    %broadcast_in_dim3A_28 = vector.shape_cast %lt3A_26 : vector<256x1xi1> to vector<256x1xi1>
    %broadcast_in_dim3A_29 = vector.broadcast %broadcast_in_dim3A_28 : vector<256x1xi1> to vector<256x16xi1>
    %broadcast_in_dim3A_30 = vector.broadcast %jit3A_27 : f32 to vector<256x16xf32>
    %select_n3A_31 = arith.select %broadcast_in_dim3A_29, %logistic3A_23, %broadcast_in_dim3A_30 : vector<256x16xi1>, vector<256x16xf32>
    %slice3A = vector.extract_strided_slice %select_n3A_31 {offsets = [0, 0], sizes = [256, 1], strides = [1, 1]} : vector<256x16xf32> to vector<256x1xf32>
    %mul3A_32 = vector.broadcast %slice3A : vector<256x1xf32> to vector<256x128xf32>
    %mul3A_33 = arith.mulf %mul3A_32, %select_n3A : vector<256x128xf32>
    %slice3A_34 = vector.extract_strided_slice %select_n3A_31 {offsets = [0, 1], sizes = [256, 1], strides = [1, 1]} : vector<256x16xf32> to vector<256x1xf32>
    %mul3A_35 = vector.broadcast %slice3A_34 : vector<256x1xf32> to vector<256x128xf32>
    %mul3A_36 = arith.mulf %mul3A_35, %select_n3A : vector<256x128xf32>
    %slice3A_37 = vector.extract_strided_slice %select_n3A_31 {offsets = [0, 2], sizes = [256, 1], strides = [1, 1]} : vector<256x16xf32> to vector<256x1xf32>
    %mul3A_38 = vector.broadcast %slice3A_37 : vector<256x1xf32> to vector<256x128xf32>
    %mul3A_39 = arith.mulf %mul3A_38, %select_n3A : vector<256x128xf32>
    %slice3A_40 = vector.extract_strided_slice %select_n3A_31 {offsets = [0, 3], sizes = [256, 1], strides = [1, 1]} : vector<256x16xf32> to vector<256x1xf32>
    %mul3A_41 = vector.broadcast %slice3A_40 : vector<256x1xf32> to vector<256x128xf32>
    %mul3A_42 = arith.mulf %mul3A_41, %select_n3A : vector<256x128xf32>
    %slice3A_43 = vector.extract_strided_slice %select_n3A_31 {offsets = [0, 4], sizes = [256, 1], strides = [1, 1]} : vector<256x16xf32> to vector<256x1xf32>
    %mul3A_44 = vector.broadcast %slice3A_43 : vector<256x1xf32> to vector<256x128xf32>
    %mul3A_45 = arith.mulf %mul3A_44, %select_n3A : vector<256x128xf32>
    %slice3A_46 = vector.extract_strided_slice %select_n3A_31 {offsets = [0, 5], sizes = [256, 1], strides = [1, 1]} : vector<256x16xf32> to vector<256x1xf32>
    %mul3A_47 = vector.broadcast %slice3A_46 : vector<256x1xf32> to vector<256x128xf32>
    %mul3A_48 = arith.mulf %mul3A_47, %select_n3A : vector<256x128xf32>
    %slice3A_49 = vector.extract_strided_slice %select_n3A_31 {offsets = [0, 6], sizes = [256, 1], strides = [1, 1]} : vector<256x16xf32> to vector<256x1xf32>
    %mul3A_50 = vector.broadcast %slice3A_49 : vector<256x1xf32> to vector<256x128xf32>
    %mul3A_51 = arith.mulf %mul3A_50, %select_n3A : vector<256x128xf32>
    %slice3A_52 = vector.extract_strided_slice %select_n3A_31 {offsets = [0, 7], sizes = [256, 1], strides = [1, 1]} : vector<256x16xf32> to vector<256x1xf32>
    %mul3A_53 = vector.broadcast %slice3A_52 : vector<256x1xf32> to vector<256x128xf32>
    %mul3A_54 = arith.mulf %mul3A_53, %select_n3A : vector<256x128xf32>
    %slice3A_55 = vector.extract_strided_slice %select_n3A_31 {offsets = [0, 8], sizes = [256, 1], strides = [1, 1]} : vector<256x16xf32> to vector<256x1xf32>
    %mul3A_56 = vector.broadcast %slice3A_55 : vector<256x1xf32> to vector<256x128xf32>
    %mul3A_57 = arith.mulf %mul3A_56, %select_n3A : vector<256x128xf32>
    %slice3A_58 = vector.extract_strided_slice %select_n3A_31 {offsets = [0, 9], sizes = [256, 1], strides = [1, 1]} : vector<256x16xf32> to vector<256x1xf32>
    %mul3A_59 = vector.broadcast %slice3A_58 : vector<256x1xf32> to vector<256x128xf32>
    %mul3A_60 = arith.mulf %mul3A_59, %select_n3A : vector<256x128xf32>
    %slice3A_61 = vector.extract_strided_slice %select_n3A_31 {offsets = [0, 10], sizes = [256, 1], strides = [1, 1]} : vector<256x16xf32> to vector<256x1xf32>
    %mul3A_62 = vector.broadcast %slice3A_61 : vector<256x1xf32> to vector<256x128xf32>
    %mul3A_63 = arith.mulf %mul3A_62, %select_n3A : vector<256x128xf32>
    %slice3A_64 = vector.extract_strided_slice %select_n3A_31 {offsets = [0, 11], sizes = [256, 1], strides = [1, 1]} : vector<256x16xf32> to vector<256x1xf32>
    %mul3A_65 = vector.broadcast %slice3A_64 : vector<256x1xf32> to vector<256x128xf32>
    %mul3A_66 = arith.mulf %mul3A_65, %select_n3A : vector<256x128xf32>
    %concatenate3A = tpu.concatenate %mul3A_33, %mul3A_36, %mul3A_39, %mul3A_42, %mul3A_45, %mul3A_48, %mul3A_51, %mul3A_54, %mul3A_57, %mul3A_60, %mul3A_63, %mul3A_66 in 1 : vector<256x128xf32>, vector<256x128xf32>, vector<256x128xf32>, vector<256x128xf32>, vector<256x128xf32>, vector<256x128xf32>, vector<256x128xf32>, vector<256x128xf32>, vector<256x128xf32>, vector<256x128xf32>, vector<256x128xf32>, vector<256x128xf32> -> vector<256x1536xf32>
    %convert_element_type3A_67 = arith.truncf %concatenate3A : vector<256x1536xf32> to vector<256x1536xbf16>
    %get3A_68 = arith.constant 0 : index
    %get3A_69 = arith.constant 0 : index
    %get3A_70 = arith.constant 0 : index
    %get3A_71 = vector.load %arg6[%get3A_68, %get3A_69, %get3A_70] : memref<1x1x256xi32, #tpu.memory_space<vmem>>, vector<1x1x256xi32>
    %get3A_72 = vector.shape_cast %get3A_71 : vector<1x1x256xi32> to vector<1x256xi32>
    %iota3A_73 = tpu.iota {dimensions = array<i32: 0>} : vector<256x1xi32>
    %eq3A_74 = vector.broadcast %iota3A_73 : vector<256x1xi32> to vector<256x256xi32>
    %eq3A_75 = vector.broadcast %get3A_72 : vector<1x256xi32> to vector<256x256xi32>
    %eq3A_76 = arith.cmpi eq, %eq3A_74, %eq3A_75 : vector<256x256xi32>
    %convert_element_type3A_77 = arith.extui %eq3A_76 : vector<256x256xi1> to vector<256x256xi32>
    %convert_element_type3A_78 = arith.sitofp %convert_element_type3A_77 : vector<256x256xi32> to vector<256x256xf32>
    %convert_element_type3A_79 = arith.truncf %convert_element_type3A_78 : vector<256x256xf32> to vector<256x256xbf16>
    %dot_general3A_80 = arith.constant dense<0.000000e+00> : vector<256x1536xf32>
    %dot_general3A_81 = tpu.matmul %convert_element_type3A_79, %convert_element_type3A_67, %dot_general3A_80 {dimension_numbers = #tpu.dot_dimension_numbers<[1], [0], [0], [1], [0, 0, 1, 1], [], []>, transpose_lhs_hint = false} : vector<256x256xbf16>, vector<256x1536xbf16>, vector<256x1536xf32> -> vector<256x1536xf32>
    %swap3A = arith.constant 0 : index
    %swap3A_82 = arith.constant 0 : index
    %swap3A_83 = vector.load %arg19[%swap3A, %swap3A_82] : memref<256x1536xf32, #tpu.memory_space<vmem>>, vector<256x1536xf32>
    tpu.vector_store %arg19[%swap3A, %swap3A_82], %dot_general3A_81 {strides = array<i32>} : memref<256x1536xf32, #tpu.memory_space<vmem>>, vector<256x1536xf32>,
    %get3A_84 = arith.index_cast %arg0 : i32 to index
    %get3A_85 = memref.load %arg1[%get3A_84] : memref<392xi32, #tpu.memory_space<smem>>
    %add3A_86 = arith.constant 1 : i32
    %add3A_87 = arith.addi %arg0, %add3A_86 : i32
    %get3A_88 = arith.index_cast %add3A_87 : i32 to index
    %get3A_89 = memref.load %arg1[%get3A_88] : memref<392xi32, #tpu.memory_space<smem>>
    %sub3A = arith.subi %get3A_89, %get3A_85 : i32
    %get3A_90 = arith.index_cast %arg0 : i32 to index
    %get3A_91 = memref.load %arg3[%get3A_90] : memref<391xi32, #tpu.memory_space<smem>>
    %eq3A_92 = arith.constant 1 : i32
    %eq3A_93 = arith.cmpi eq, %get3A_91, %eq3A_92 : i32
    %convert_element_type3A_94 = arith.extui %eq3A_93 : i1 to i32
    %cond3A_95 = arith.constant 0 : i32
    %cond3A_96 = arith.cmpi ne, %convert_element_type3A_94, %cond3A_95 : i32
    scf.if %cond3A_96 {
      %get3A_109 = arith.index_cast %arg0 : i32 to index
      %get3A_110 = memref.load %arg4[%get3A_109] : memref<391xi32, #tpu.memory_space<smem>>
      %mul3A_111 = arith.constant 8 : i32
      %mul3A_112 = arith.muli %get3A_110, %mul3A_111 : i32
      %multiple_of3A = tpu.assume_multiple %mul3A_112, 8 : i32
      %get3A_113 = arith.index_cast %multiple_of3A : i32 to index
      %get3A_114 = arith.constant 0 : index
      %get3A_115 = vector.load %arg18[%get3A_113, %get3A_114] : memref<2024x1536xf32, #tpu.memory_space<vmem>>, vector<24x1536xf32>
      %get3A_116 = arith.constant 0 : index
      %get3A_117 = arith.constant 0 : index
      %get3A_118 = vector.load %arg19[%get3A_116, %get3A_117] : memref<256x1536xf32, #tpu.memory_space<vmem>>, vector<24x1536xf32>
      %add3A_119 = arith.addf %get3A_115, %get3A_118 : vector<24x1536xf32>
      %swap3A_120 = arith.index_cast %multiple_of3A : i32 to index
      %swap3A_121 = arith.constant 0 : index
      %swap3A_122 = vector.load %arg18[%swap3A_120, %swap3A_121] : memref<2024x1536xf32, #tpu.memory_space<vmem>>, vector<24x1536xf32>
      tpu.vector_store %arg18[%swap3A_120, %swap3A_121], %add3A_119 {strides = array<i32>} : memref<2024x1536xf32, #tpu.memory_space<vmem>>, vector<24x1536xf32>,
    } else {
    }
    %get3A_97 = arith.index_cast %arg0 : i32 to index
    %get3A_98 = memref.load %arg3[%get3A_97] : memref<391xi32, #tpu.memory_space<smem>>
    %eq3A_99 = arith.constant 0 : i32
    %eq3A_100 = arith.cmpi eq, %get3A_98, %eq3A_99 : i32
    %convert_element_type3A_101 = arith.extui %eq3A_100 : i1 to i32
    %cond3A_102 = arith.constant 0 : i32
    %cond3A_103 = arith.cmpi ne, %convert_element_type3A_101, %cond3A_102 : i32
    scf.if %cond3A_103 {
      %while3A = arith.constant 0 : i32
      %while3A_109 = arith.constant 0 : i32
      %while3A_110 = arith.subi %sub3A, %while3A : i32
      %while3A_111 = arith.addi %while3A, %while3A_110 : i32
      %while3A_112 = arith.constant 1 : i32
      %while3A_113 = arith.divsi %while3A_110, %while3A_112 : i32
      %while3A_114 = arith.muli %while3A_113, %while3A_112 : i32
      %while3A_115 = arith.addi %while3A, %while3A_114 : i32
      %while3A_116 = arith.constant 1 : i32
      %while3A_117 = scf.for %while3A_120 = %while3A to %while3A_115 step %while3A_116 iter_args(%while3A_121 = %while3A_109) -> (i32)  : i32 {
        %add3A_122 = arith.addi %get3A_85, %while3A_120 : i32
        %get3A_123 = arith.index_cast %add3A_122 : i32 to index
        %get3A_124 = memref.load %arg2[%get3A_123] : memref<2560xi32, #tpu.memory_space<smem>>
        %get3A_125 = arith.index_cast %get3A_124 : i32 to index
        %get3A_126 = arith.constant 0 : index
        %get3A_127 = vector.load %arg18[%get3A_125, %get3A_126] : memref<2024x1536xf32, #tpu.memory_space<vmem>>, vector<1x1536xf32>
        %get3A_128 = arith.index_cast %while3A_120 : i32 to index
        %get3A_129 = arith.constant 0 : index
        %get3A_130 = vector.load %arg19[%get3A_128, %get3A_129] : memref<256x1536xf32, #tpu.memory_space<vmem>>, vector<1x1536xf32>
        %add3A_131 = arith.addf %get3A_127, %get3A_130 : vector<1x1536xf32>
        %swap3A_132 = arith.index_cast %get3A_124 : i32 to index
        %swap3A_133 = arith.constant 0 : index
        %swap3A_134 = vector.load %arg18[%swap3A_132, %swap3A_133] : memref<2024x1536xf32, #tpu.memory_space<vmem>>, vector<1x1536xf32>
        tpu.vector_store %arg18[%swap3A_132, %swap3A_133], %add3A_131 {strides = array<i32>} : memref<2024x1536xf32, #tpu.memory_space<vmem>>, vector<1x1536xf32>,
        %while3A_135 = arith.constant 0 : i32
        scf.yield %while3A_135 : i32
      }
      %while3A_118 = arith.constant 1 : i32
      %while3A_119 = scf.for %while3A_120 = %while3A_115 to %while3A_111 step %while3A_118 iter_args(%while3A_121 = %while3A_117) -> (i32)  : i32 {
        %add3A_122 = arith.addi %get3A_85, %while3A_120 : i32
        %get3A_123 = arith.index_cast %add3A_122 : i32 to index
        %get3A_124 = memref.load %arg2[%get3A_123] : memref<2560xi32, #tpu.memory_space<smem>>
        %get3A_125 = arith.index_cast %get3A_124 : i32 to index
        %get3A_126 = arith.constant 0 : index
        %get3A_127 = vector.load %arg18[%get3A_125, %get3A_126] : memref<2024x1536xf32, #tpu.memory_space<vmem>>, vector<1x1536xf32>
        %get3A_128 = arith.index_cast %while3A_120 : i32 to index
        %get3A_129 = arith.constant 0 : index
        %get3A_130 = vector.load %arg19[%get3A_128, %get3A_129] : memref<256x1536xf32, #tpu.memory_space<vmem>>, vector<1x1536xf32>
        %add3A_131 = arith.addf %get3A_127, %get3A_130 : vector<1x1536xf32>
        %swap3A_132 = arith.index_cast %get3A_124 : i32 to index
        %swap3A_133 = arith.constant 0 : index
        %swap3A_134 = vector.load %arg18[%swap3A_132, %swap3A_133] : memref<2024x1536xf32, #tpu.memory_space<vmem>>, vector<1x1536xf32>
        tpu.vector_store %arg18[%swap3A_132, %swap3A_133], %add3A_131 {strides = array<i32>} : memref<2024x1536xf32, #tpu.memory_space<vmem>>, vector<1x1536xf32>,
        %while3A_135 = arith.constant 0 : i32
        scf.yield %while3A_135 : i32
      }
    } else {
    }
    %eq3A_104 = arith.constant 390 : i32
    %eq3A_105 = arith.cmpi eq, %arg0, %eq3A_104 : i32
    %convert_element_type3A_106 = arith.extui %eq3A_105 : i1 to i32
    %cond3A_107 = arith.constant 0 : i32
    %cond3A_108 = arith.cmpi ne, %convert_element_type3A_106, %cond3A_107 : i32
    scf.if %cond3A_108 {
      %get3A_109 = arith.constant 0 : index
      %get3A_110 = arith.constant 0 : index
      %get3A_111 = vector.load %arg18[%get3A_109, %get3A_110] : memref<2024x1536xf32, #tpu.memory_space<vmem>>, vector<2000x128xf32>
      %get3A_112 = arith.constant 0 : index
      %get3A_113 = arith.constant 0 : index
      %get3A_114 = arith.constant 0 : index
      %get3A_115 = vector.load %arg9[%get3A_112, %get3A_113, %get3A_114] : memref<12x128x128xf32, #tpu.memory_space<vmem>>, vector<1x128x128xf32>
      %get3A_116 = vector.shape_cast %get3A_115 : vector<1x128x128xf32> to vector<128x128xf32>
      %dot_general3A_117 = arith.constant dense<0.000000e+00> : vector<2000x128xf32>
      %dot_general3A_118 = tpu.matmul %get3A_111, %get3A_116, %dot_general3A_117 {dimension_numbers = #tpu.dot_dimension_numbers<[1], [0], [0], [1], [0, 0, 1, 1], [], []>, transpose_lhs_hint = false} : vector<2000x128xf32>, vector<128x128xf32>, vector<2000x128xf32> -> vector<2000x128xf32>
      %get3A_119 = arith.constant 0 : index
      %get3A_120 = arith.constant 0 : index
      %get3A_121 = vector.load %arg10[%get3A_119, %get3A_120] : memref<12x128xf32, #tpu.memory_space<vmem>>, vector<1x128xf32>
      %add3A_122 = vector.broadcast %get3A_121 : vector<1x128xf32> to vector<2000x128xf32>
      %add3A_123 = arith.addf %dot_general3A_118, %add3A_122 : vector<2000x128xf32>
      %max3A = arith.constant 0.000000e+00 : f32
      %max3A_124 = vector.broadcast %max3A : f32 to vector<2000x128xf32>
      %max3A_125 = arith.maximumf %add3A_123, %max3A_124 : vector<2000x128xf32>
      %get3A_126 = arith.constant 0 : index
      %get3A_127 = arith.constant 0 : index
      %get3A_128 = arith.constant 0 : index
      %get3A_129 = vector.load %arg11[%get3A_126, %get3A_127, %get3A_128] : memref<12x128x128xf32, #tpu.memory_space<vmem>>, vector<1x128x128xf32>
      %get3A_130 = vector.shape_cast %get3A_129 : vector<1x128x128xf32> to vector<128x128xf32>
      %dot_general3A_131 = arith.constant dense<0.000000e+00> : vector<2000x128xf32>
      %dot_general3A_132 = tpu.matmul %max3A_125, %get3A_130, %dot_general3A_131 {dimension_numbers = #tpu.dot_dimension_numbers<[1], [0], [0], [1], [0, 0, 1, 1], [], []>, transpose_lhs_hint = false} : vector<2000x128xf32>, vector<128x128xf32>, vector<2000x128xf32> -> vector<2000x128xf32>
      %get3A_133 = arith.constant 0 : index
      %get3A_134 = arith.constant 0 : index
      %get3A_135 = vector.load %arg12[%get3A_133, %get3A_134] : memref<12x128xf32, #tpu.memory_space<vmem>>, vector<1x128xf32>
      %add3A_136 = vector.broadcast %get3A_135 : vector<1x128xf32> to vector<2000x128xf32>
      %add3A_137 = arith.addf %dot_general3A_132, %add3A_136 : vector<2000x128xf32>
      %max3A_138 = arith.constant 0.000000e+00 : f32
      %max3A_139 = vector.broadcast %max3A_138 : f32 to vector<2000x128xf32>
      %max3A_140 = arith.maximumf %add3A_137, %max3A_139 : vector<2000x128xf32>
      %get3A_141 = arith.constant 0 : index
      %get3A_142 = arith.constant 0 : index
      %get3A_143 = arith.constant 0 : index
      %get3A_144 = vector.load %arg13[%get3A_141, %get3A_142, %get3A_143] : memref<12x128x128xf32, #tpu.memory_space<vmem>>, vector<1x128x128xf32>
      %get3A_145 = vector.shape_cast %get3A_144 : vector<1x128x128xf32> to vector<128x128xf32>
      %dot_general3A_146 = arith.constant dense<0.000000e+00> : vector<2000x128xf32>
      %dot_general3A_147 = tpu.matmul %max3A_140, %get3A_145, %dot_general3A_146 {dimension_numbers = #tpu.dot_dimension_numbers<[1], [0], [0], [1], [0, 0, 1, 1], [], []>, transpose_lhs_hint = false} : vector<2000x128xf32>, vector<128x128xf32>, vector<2000x128xf32> -> vector<2000x128xf32>
      %get3A_148 = arith.constant 0 : index
      %get3A_149 = arith.constant 0 : index
      %get3A_150 = vector.load %arg14[%get3A_148, %get3A_149] : memref<12x128xf32, #tpu.memory_space<vmem>>, vector<1x128xf32>
      %add3A_151 = vector.broadcast %get3A_150 : vector<1x128xf32> to vector<2000x128xf32>
      %add3A_152 = arith.addf %dot_general3A_147, %add3A_151 : vector<2000x128xf32>
      %max3A_153 = arith.constant 0.000000e+00 : f32
      %max3A_154 = vector.broadcast %max3A_153 : f32 to vector<2000x128xf32>
      %max3A_155 = arith.maximumf %add3A_152, %max3A_154 : vector<2000x128xf32>
      %get3A_156 = arith.constant 0 : index
      %get3A_157 = arith.constant 0 : index
      %get3A_158 = vector.load %arg15[%get3A_156, %get3A_157] : memref<128x12xf32, #tpu.memory_space<vmem>>, vector<128x1xf32>
      %dot_general3A_159 = arith.constant dense<0.000000e+00> : vector<2000x1xf32>
      %dot_general3A_160 = tpu.matmul %max3A_155, %get3A_158, %dot_general3A_159 {dimension_numbers = #tpu.dot_dimension_numbers<[1], [0], [0], [1], [0, 0, 1, 1], [], []>, transpose_lhs_hint = false} : vector<2000x128xf32>, vector<128x1xf32>, vector<2000x1xf32> -> vector<2000x1xf32>
      %get3A_161 = arith.constant 0 : index
      %get3A_162 = arith.constant 0 : index
      %get3A_163 = vector.load %arg16[%get3A_161, %get3A_162] : memref<1x12xf32, #tpu.memory_space<vmem>>, vector<1x1xf32>
      %get3A_164 = vector.extract %get3A_163[0, 0] : f32 from vector<1x1xf32>
      %add3A_165 = vector.broadcast %get3A_164 : f32 to vector<2000x1xf32>
      %add3A_166 = arith.addf %dot_general3A_160, %add3A_165 : vector<2000x1xf32>
      %swap3A_167 = arith.constant 0 : index
      %swap3A_168 = arith.constant 0 : index
      %swap3A_169 = vector.load %arg17[%swap3A_167, %swap3A_168] : memref<2000x12xf32, #tpu.memory_space<vmem>>, vector<2000x1xf32>
      tpu.vector_store %arg17[%swap3A_167, %swap3A_168], %add3A_166 {strides = array<i32>} : memref<2000x12xf32, #tpu.memory_space<vmem>>, vector<2000x1xf32>,
      %get3A_170 = arith.constant 0 : index
      %get3A_171 = arith.constant 128 : index
      %get3A_172 = vector.load %arg18[%get3A_170, %get3A_171] : memref<2024x1536xf32, #tpu.memory_space<vmem>>, vector<2000x128xf32>
      %get3A_173 = arith.constant 1 : index
      %get3A_174 = arith.constant 0 : index
      %get3A_175 = arith.constant 0 : index
      %get3A_176 = vector.load %arg9[%get3A_173, %get3A_174, %get3A_175] : memref<12x128x128xf32, #tpu.memory_space<vmem>>, vector<1x128x128xf32>
      %get3A_177 = vector.shape_cast %get3A_176 : vector<1x128x128xf32> to vector<128x128xf32>
      %dot_general3A_178 = arith.constant dense<0.000000e+00> : vector<2000x128xf32>
      %dot_general3A_179 = tpu.matmul %get3A_172, %get3A_177, %dot_general3A_178 {dimension_numbers = #tpu.dot_dimension_numbers<[1], [0], [0], [1], [0, 0, 1, 1], [], []>, transpose_lhs_hint = false} : vector<2000x128xf32>, vector<128x128xf32>, vector<2000x128xf32> -> vector<2000x128xf32>
      %get3A_180 = arith.constant 1 : index
      %get3A_181 = arith.constant 0 : index
      %get3A_182 = vector.load %arg10[%get3A_180, %get3A_181] : memref<12x128xf32, #tpu.memory_space<vmem>>, vector<1x128xf32>
      %add3A_183 = vector.broadcast %get3A_182 : vector<1x128xf32> to vector<2000x128xf32>
      %add3A_184 = arith.addf %dot_general3A_179, %add3A_183 : vector<2000x128xf32>
      %max3A_185 = arith.constant 0.000000e+00 : f32
      %max3A_186 = vector.broadcast %max3A_185 : f32 to vector<2000x128xf32>
      %max3A_187 = arith.maximumf %add3A_184, %max3A_186 : vector<2000x128xf32>
      %get3A_188 = arith.constant 1 : index
      %get3A_189 = arith.constant 0 : index
      %get3A_190 = arith.constant 0 : index
      %get3A_191 = vector.load %arg11[%get3A_188, %get3A_189, %get3A_190] : memref<12x128x128xf32, #tpu.memory_space<vmem>>, vector<1x128x128xf32>
      %get3A_192 = vector.shape_cast %get3A_191 : vector<1x128x128xf32> to vector<128x128xf32>
      %dot_general3A_193 = arith.constant dense<0.000000e+00> : vector<2000x128xf32>
      %dot_general3A_194 = tpu.matmul %max3A_187, %get3A_192, %dot_general3A_193 {dimension_numbers = #tpu.dot_dimension_numbers<[1], [0], [0], [1], [0, 0, 1, 1], [], []>, transpose_lhs_hint = false} : vector<2000x128xf32>, vector<128x128xf32>, vector<2000x128xf32> -> vector<2000x128xf32>
      %get3A_195 = arith.constant 1 : index
      %get3A_196 = arith.constant 0 : index
      %get3A_197 = vector.load %arg12[%get3A_195, %get3A_196] : memref<12x128xf32, #tpu.memory_space<vmem>>, vector<1x128xf32>
      %add3A_198 = vector.broadcast %get3A_197 : vector<1x128xf32> to vector<2000x128xf32>
      %add3A_199 = arith.addf %dot_general3A_194, %add3A_198 : vector<2000x128xf32>
      %max3A_200 = arith.constant 0.000000e+00 : f32
      %max3A_201 = vector.broadcast %max3A_200 : f32 to vector<2000x128xf32>
      %max3A_202 = arith.maximumf %add3A_199, %max3A_201 : vector<2000x128xf32>
      %get3A_203 = arith.constant 1 : index
      %get3A_204 = arith.constant 0 : index
      %get3A_205 = arith.constant 0 : index
      %get3A_206 = vector.load %arg13[%get3A_203, %get3A_204, %get3A_205] : memref<12x128x128xf32, #tpu.memory_space<vmem>>, vector<1x128x128xf32>
      %get3A_207 = vector.shape_cast %get3A_206 : vector<1x128x128xf32> to vector<128x128xf32>
      %dot_general3A_208 = arith.constant dense<0.000000e+00> : vector<2000x128xf32>
      %dot_general3A_209 = tpu.matmul %max3A_202, %get3A_207, %dot_general3A_208 {dimension_numbers = #tpu.dot_dimension_numbers<[1], [0], [0], [1], [0, 0, 1, 1], [], []>, transpose_lhs_hint = false} : vector<2000x128xf32>, vector<128x128xf32>, vector<2000x128xf32> -> vector<2000x128xf32>
      %get3A_210 = arith.constant 1 : index
      %get3A_211 = arith.constant 0 : index
      %get3A_212 = vector.load %arg14[%get3A_210, %get3A_211] : memref<12x128xf32, #tpu.memory_space<vmem>>, vector<1x128xf32>
      %add3A_213 = vector.broadcast %get3A_212 : vector<1x128xf32> to vector<2000x128xf32>
      %add3A_214 = arith.addf %dot_general3A_209, %add3A_213 : vector<2000x128xf32>
      %max3A_215 = arith.constant 0.000000e+00 : f32
      %max3A_216 = vector.broadcast %max3A_215 : f32 to vector<2000x128xf32>
      %max3A_217 = arith.maximumf %add3A_214, %max3A_216 : vector<2000x128xf32>
      %get3A_218 = arith.constant 0 : index
      %get3A_219 = arith.constant 1 : index
      %get3A_220 = vector.load %arg15[%get3A_218, %get3A_219] : memref<128x12xf32, #tpu.memory_space<vmem>>, vector<128x1xf32>
      %dot_general3A_221 = arith.constant dense<0.000000e+00> : vector<2000x1xf32>
      %dot_general3A_222 = tpu.matmul %max3A_217, %get3A_220, %dot_general3A_221 {dimension_numbers = #tpu.dot_dimension_numbers<[1], [0], [0], [1], [0, 0, 1, 1], [], []>, transpose_lhs_hint = false} : vector<2000x128xf32>, vector<128x1xf32>, vector<2000x1xf32> -> vector<2000x1xf32>
      %get3A_223 = arith.constant 0 : index
      %get3A_224 = arith.constant 1 : index
      %get3A_225 = vector.load %arg16[%get3A_223, %get3A_224] : memref<1x12xf32, #tpu.memory_space<vmem>>, vector<1x1xf32>
      %get3A_226 = vector.extract %get3A_225[0, 0] : f32 from vector<1x1xf32>
      %add3A_227 = vector.broadcast %get3A_226 : f32 to vector<2000x1xf32>
      %add3A_228 = arith.addf %dot_general3A_222, %add3A_227 : vector<2000x1xf32>
      %swap3A_229 = arith.constant 0 : index
      %swap3A_230 = arith.constant 1 : index
      %swap3A_231 = vector.load %arg17[%swap3A_229, %swap3A_230] : memref<2000x12xf32, #tpu.memory_space<vmem>>, vector<2000x1xf32>
      tpu.vector_store %arg17[%swap3A_229, %swap3A_230], %add3A_228 {strides = array<i32>} : memref<2000x12xf32, #tpu.memory_space<vmem>>, vector<2000x1xf32>,
      %get3A_232 = arith.constant 0 : index
      %get3A_233 = arith.constant 256 : index
      %get3A_234 = vector.load %arg18[%get3A_232, %get3A_233] : memref<2024x1536xf32, #tpu.memory_space<vmem>>, vector<2000x128xf32>
      %get3A_235 = arith.constant 2 : index
      %get3A_236 = arith.constant 0 : index
      %get3A_237 = arith.constant 0 : index
      %get3A_238 = vector.load %arg9[%get3A_235, %get3A_236, %get3A_237] : memref<12x128x128xf32, #tpu.memory_space<vmem>>, vector<1x128x128xf32>
      %get3A_239 = vector.shape_cast %get3A_238 : vector<1x128x128xf32> to vector<128x128xf32>
      %dot_general3A_240 = arith.constant dense<0.000000e+00> : vector<2000x128xf32>
      %dot_general3A_241 = tpu.matmul %get3A_234, %get3A_239, %dot_general3A_240 {dimension_numbers = #tpu.dot_dimension_numbers<[1], [0], [0], [1], [0, 0, 1, 1], [], []>, transpose_lhs_hint = false} : vector<2000x128xf32>, vector<128x128xf32>, vector<2000x128xf32> -> vector<2000x128xf32>
      %get3A_242 = arith.constant 2 : index
      %get3A_243 = arith.constant 0 : index
      %get3A_244 = vector.load %arg10[%get3A_242, %get3A_243] : memref<12x128xf32, #tpu.memory_space<vmem>>, vector<1x128xf32>
      %add3A_245 = vector.broadcast %get3A_244 : vector<1x128xf32> to vector<2000x128xf32>
      %add3A_246 = arith.addf %dot_general3A_241, %add3A_245 : vector<2000x128xf32>
      %max3A_247 = arith.constant 0.000000e+00 : f32
      %max3A_248 = vector.broadcast %max3A_247 : f32 to vector<2000x128xf32>
      %max3A_249 = arith.maximumf %add3A_246, %max3A_248 : vector<2000x128xf32>
      %get3A_250 = arith.constant 2 : index
      %get3A_251 = arith.constant 0 : index
      %get3A_252 = arith.constant 0 : index
      %get3A_253 = vector.load %arg11[%get3A_250, %get3A_251, %get3A_252] : memref<12x128x128xf32, #tpu.memory_space<vmem>>, vector<1x128x128xf32>
      %get3A_254 = vector.shape_cast %get3A_253 : vector<1x128x128xf32> to vector<128x128xf32>
      %dot_general3A_255 = arith.constant dense<0.000000e+00> : vector<2000x128xf32>
      %dot_general3A_256 = tpu.matmul %max3A_249, %get3A_254, %dot_general3A_255 {dimension_numbers = #tpu.dot_dimension_numbers<[1], [0], [0], [1], [0, 0, 1, 1], [], []>, transpose_lhs_hint = false} : vector<2000x128xf32>, vector<128x128xf32>, vector<2000x128xf32> -> vector<2000x128xf32>
      %get3A_257 = arith.constant 2 : index
      %get3A_258 = arith.constant 0 : index
      %get3A_259 = vector.load %arg12[%get3A_257, %get3A_258] : memref<12x128xf32, #tpu.memory_space<vmem>>, vector<1x128xf32>
      %add3A_260 = vector.broadcast %get3A_259 : vector<1x128xf32> to vector<2000x128xf32>
      %add3A_261 = arith.addf %dot_general3A_256, %add3A_260 : vector<2000x128xf32>
      %max3A_262 = arith.constant 0.000000e+00 : f32
      %max3A_263 = vector.broadcast %max3A_262 : f32 to vector<2000x128xf32>
      %max3A_264 = arith.maximumf %add3A_261, %max3A_263 : vector<2000x128xf32>
      %get3A_265 = arith.constant 2 : index
      %get3A_266 = arith.constant 0 : index
      %get3A_267 = arith.constant 0 : index
      %get3A_268 = vector.load %arg13[%get3A_265, %get3A_266, %get3A_267] : memref<12x128x128xf32, #tpu.memory_space<vmem>>, vector<1x128x128xf32>
      %get3A_269 = vector.shape_cast %get3A_268 : vector<1x128x128xf32> to vector<128x128xf32>
      %dot_general3A_270 = arith.constant dense<0.000000e+00> : vector<2000x128xf32>
      %dot_general3A_271 = tpu.matmul %max3A_264, %get3A_269, %dot_general3A_270 {dimension_numbers = #tpu.dot_dimension_numbers<[1], [0], [0], [1], [0, 0, 1, 1], [], []>, transpose_lhs_hint = false} : vector<2000x128xf32>, vector<128x128xf32>, vector<2000x128xf32> -> vector<2000x128xf32>
      %get3A_272 = arith.constant 2 : index
      %get3A_273 = arith.constant 0 : index
      %get3A_274 = vector.load %arg14[%get3A_272, %get3A_273] : memref<12x128xf32, #tpu.memory_space<vmem>>, vector<1x128xf32>
      %add3A_275 = vector.broadcast %get3A_274 : vector<1x128xf32> to vector<2000x128xf32>
      %add3A_276 = arith.addf %dot_general3A_271, %add3A_275 : vector<2000x128xf32>
      %max3A_277 = arith.constant 0.000000e+00 : f32
      %max3A_278 = vector.broadcast %max3A_277 : f32 to vector<2000x128xf32>
      %max3A_279 = arith.maximumf %add3A_276, %max3A_278 : vector<2000x128xf32>
      %get3A_280 = arith.constant 0 : index
      %get3A_281 = arith.constant 2 : index
      %get3A_282 = vector.load %arg15[%get3A_280, %get3A_281] : memref<128x12xf32, #tpu.memory_space<vmem>>, vector<128x1xf32>
      %dot_general3A_283 = arith.constant dense<0.000000e+00> : vector<2000x1xf32>
      %dot_general3A_284 = tpu.matmul %max3A_279, %get3A_282, %dot_general3A_283 {dimension_numbers = #tpu.dot_dimension_numbers<[1], [0], [0], [1], [0, 0, 1, 1], [], []>, transpose_lhs_hint = false} : vector<2000x128xf32>, vector<128x1xf32>, vector<2000x1xf32> -> vector<2000x1xf32>
      %get3A_285 = arith.constant 0 : index
      %get3A_286 = arith.constant 2 : index
      %get3A_287 = vector.load %arg16[%get3A_285, %get3A_286] : memref<1x12xf32, #tpu.memory_space<vmem>>, vector<1x1xf32>
      %get3A_288 = vector.extract %get3A_287[0, 0] : f32 from vector<1x1xf32>
      %add3A_289 = vector.broadcast %get3A_288 : f32 to vector<2000x1xf32>
      %add3A_290 = arith.addf %dot_general3A_284, %add3A_289 : vector<2000x1xf32>
      %swap3A_291 = arith.constant 0 : index
      %swap3A_292 = arith.constant 2 : index
      %swap3A_293 = vector.load %arg17[%swap3A_291, %swap3A_292] : memref<2000x12xf32, #tpu.memory_space<vmem>>, vector<2000x1xf32>
      tpu.vector_store %arg17[%swap3A_291, %swap3A_292], %add3A_290 {strides = array<i32>} : memref<2000x12xf32, #tpu.memory_space<vmem>>, vector<2000x1xf32>,
      %get3A_294 = arith.constant 0 : index
      %get3A_295 = arith.constant 384 : index
      %get3A_296 = vector.load %arg18[%get3A_294, %get3A_295] : memref<2024x1536xf32, #tpu.memory_space<vmem>>, vector<2000x128xf32>
      %get3A_297 = arith.constant 3 : index
      %get3A_298 = arith.constant 0 : index
      %get3A_299 = arith.constant 0 : index
      %get3A_300 = vector.load %arg9[%get3A_297, %get3A_298, %get3A_299] : memref<12x128x128xf32, #tpu.memory_space<vmem>>, vector<1x128x128xf32>
      %get3A_301 = vector.shape_cast %get3A_300 : vector<1x128x128xf32> to vector<128x128xf32>
      %dot_general3A_302 = arith.constant dense<0.000000e+00> : vector<2000x128xf32>
      %dot_general3A_303 = tpu.matmul %get3A_296, %get3A_301, %dot_general3A_302 {dimension_numbers = #tpu.dot_dimension_numbers<[1], [0], [0], [1], [0, 0, 1, 1], [], []>, transpose_lhs_hint = false} : vector<2000x128xf32>, vector<128x128xf32>, vector<2000x128xf32> -> vector<2000x128xf32>
      %get3A_304 = arith.constant 3 : index
      %get3A_305 = arith.constant 0 : index
      %get3A_306 = vector.load %arg10[%get3A_304, %get3A_305] : memref<12x128xf32, #tpu.memory_space<vmem>>, vector<1x128xf32>
      %add3A_307 = vector.broadcast %get3A_306 : vector<1x128xf32> to vector<2000x128xf32>
      %add3A_308 = arith.addf %dot_general3A_303, %add3A_307 : vector<2000x128xf32>
      %max3A_309 = arith.constant 0.000000e+00 : f32
      %max3A_310 = vector.broadcast %max3A_309 : f32 to vector<2000x128xf32>
      %max3A_311 = arith.maximumf %add3A_308, %max3A_310 : vector<2000x128xf32>
      %get3A_312 = arith.constant 3 : index
      %get3A_313 = arith.constant 0 : index
      %get3A_314 = arith.constant 0 : index
      %get3A_315 = vector.load %arg11[%get3A_312, %get3A_313, %get3A_314] : memref<12x128x128xf32, #tpu.memory_space<vmem>>, vector<1x128x128xf32>
      %get3A_316 = vector.shape_cast %get3A_315 : vector<1x128x128xf32> to vector<128x128xf32>
      %dot_general3A_317 = arith.constant dense<0.000000e+00> : vector<2000x128xf32>
      %dot_general3A_318 = tpu.matmul %max3A_311, %get3A_316, %dot_general3A_317 {dimension_numbers = #tpu.dot_dimension_numbers<[1], [0], [0], [1], [0, 0, 1, 1], [], []>, transpose_lhs_hint = false} : vector<2000x128xf32>, vector<128x128xf32>, vector<2000x128xf32> -> vector<2000x128xf32>
      %get3A_319 = arith.constant 3 : index
      %get3A_320 = arith.constant 0 : index
      %get3A_321 = vector.load %arg12[%get3A_319, %get3A_320] : memref<12x128xf32, #tpu.memory_space<vmem>>, vector<1x128xf32>
      %add3A_322 = vector.broadcast %get3A_321 : vector<1x128xf32> to vector<2000x128xf32>
      %add3A_323 = arith.addf %dot_general3A_318, %add3A_322 : vector<2000x128xf32>
      %max3A_324 = arith.constant 0.000000e+00 : f32
      %max3A_325 = vector.broadcast %max3A_324 : f32 to vector<2000x128xf32>
      %max3A_326 = arith.maximumf %add3A_323, %max3A_325 : vector<2000x128xf32>
      %get3A_327 = arith.constant 3 : index
      %get3A_328 = arith.constant 0 : index
      %get3A_329 = arith.constant 0 : index
      %get3A_330 = vector.load %arg13[%get3A_327, %get3A_328, %get3A_329] : memref<12x128x128xf32, #tpu.memory_space<vmem>>, vector<1x128x128xf32>
      %get3A_331 = vector.shape_cast %get3A_330 : vector<1x128x128xf32> to vector<128x128xf32>
      %dot_general3A_332 = arith.constant dense<0.000000e+00> : vector<2000x128xf32>
      %dot_general3A_333 = tpu.matmul %max3A_326, %get3A_331, %dot_general3A_332 {dimension_numbers = #tpu.dot_dimension_numbers<[1], [0], [0], [1], [0, 0, 1, 1], [], []>, transpose_lhs_hint = false} : vector<2000x128xf32>, vector<128x128xf32>, vector<2000x128xf32> -> vector<2000x128xf32>
      %get3A_334 = arith.constant 3 : index
      %get3A_335 = arith.constant 0 : index
      %get3A_336 = vector.load %arg14[%get3A_334, %get3A_335] : memref<12x128xf32, #tpu.memory_space<vmem>>, vector<1x128xf32>
      %add3A_337 = vector.broadcast %get3A_336 : vector<1x128xf32> to vector<2000x128xf32>
      %add3A_338 = arith.addf %dot_general3A_333, %add3A_337 : vector<2000x128xf32>
      %max3A_339 = arith.constant 0.000000e+00 : f32
      %max3A_340 = vector.broadcast %max3A_339 : f32 to vector<2000x128xf32>
      %max3A_341 = arith.maximumf %add3A_338, %max3A_340 : vector<2000x128xf32>
      %get3A_342 = arith.constant 0 : index
      %get3A_343 = arith.constant 3 : index
      %get3A_344 = vector.load %arg15[%get3A_342, %get3A_343] : memref<128x12xf32, #tpu.memory_space<vmem>>, vector<128x1xf32>
      %dot_general3A_345 = arith.constant dense<0.000000e+00> : vector<2000x1xf32>
      %dot_general3A_346 = tpu.matmul %max3A_341, %get3A_344, %dot_general3A_345 {dimension_numbers = #tpu.dot_dimension_numbers<[1], [0], [0], [1], [0, 0, 1, 1], [], []>, transpose_lhs_hint = false} : vector<2000x128xf32>, vector<128x1xf32>, vector<2000x1xf32> -> vector<2000x1xf32>
      %get3A_347 = arith.constant 0 : index
      %get3A_348 = arith.constant 3 : index
      %get3A_349 = vector.load %arg16[%get3A_347, %get3A_348] : memref<1x12xf32, #tpu.memory_space<vmem>>, vector<1x1xf32>
      %get3A_350 = vector.extract %get3A_349[0, 0] : f32 from vector<1x1xf32>
      %add3A_351 = vector.broadcast %get3A_350 : f32 to vector<2000x1xf32>
      %add3A_352 = arith.addf %dot_general3A_346, %add3A_351 : vector<2000x1xf32>
      %swap3A_353 = arith.constant 0 : index
      %swap3A_354 = arith.constant 3 : index
      %swap3A_355 = vector.load %arg17[%swap3A_353, %swap3A_354] : memref<2000x12xf32, #tpu.memory_space<vmem>>, vector<2000x1xf32>
      tpu.vector_store %arg17[%swap3A_353, %swap3A_354], %add3A_352 {strides = array<i32>} : memref<2000x12xf32, #tpu.memory_space<vmem>>, vector<2000x1xf32>,
      %get3A_356 = arith.constant 0 : index
      %get3A_357 = arith.constant 512 : index
      %get3A_358 = vector.load %arg18[%get3A_356, %get3A_357] : memref<2024x1536xf32, #tpu.memory_space<vmem>>, vector<2000x128xf32>
      %get3A_359 = arith.constant 4 : index
      %get3A_360 = arith.constant 0 : index
      %get3A_361 = arith.constant 0 : index
      %get3A_362 = vector.load %arg9[%get3A_359, %get3A_360, %get3A_361] : memref<12x128x128xf32, #tpu.memory_space<vmem>>, vector<1x128x128xf32>
      %get3A_363 = vector.shape_cast %get3A_362 : vector<1x128x128xf32> to vector<128x128xf32>
      %dot_general3A_364 = arith.constant dense<0.000000e+00> : vector<2000x128xf32>
      %dot_general3A_365 = tpu.matmul %get3A_358, %get3A_363, %dot_general3A_364 {dimension_numbers = #tpu.dot_dimension_numbers<[1], [0], [0], [1], [0, 0, 1, 1], [], []>, transpose_lhs_hint = false} : vector<2000x128xf32>, vector<128x128xf32>, vector<2000x128xf32> -> vector<2000x128xf32>
      %get3A_366 = arith.constant 4 : index
      %get3A_367 = arith.constant 0 : index
      %get3A_368 = vector.load %arg10[%get3A_366, %get3A_367] : memref<12x128xf32, #tpu.memory_space<vmem>>, vector<1x128xf32>
      %add3A_369 = vector.broadcast %get3A_368 : vector<1x128xf32> to vector<2000x128xf32>
      %add3A_370 = arith.addf %dot_general3A_365, %add3A_369 : vector<2000x128xf32>
      %max3A_371 = arith.constant 0.000000e+00 : f32
      %max3A_372 = vector.broadcast %max3A_371 : f32 to vector<2000x128xf32>
      %max3A_373 = arith.maximumf %add3A_370, %max3A_372 : vector<2000x128xf32>
      %get3A_374 = arith.constant 4 : index
      %get3A_375 = arith.constant 0 : index
      %get3A_376 = arith.constant 0 : index
      %get3A_377 = vector.load %arg11[%get3A_374, %get3A_375, %get3A_376] : memref<12x128x128xf32, #tpu.memory_space<vmem>>, vector<1x128x128xf32>
      %get3A_378 = vector.shape_cast %get3A_377 : vector<1x128x128xf32> to vector<128x128xf32>
      %dot_general3A_379 = arith.constant dense<0.000000e+00> : vector<2000x128xf32>
      %dot_general3A_380 = tpu.matmul %max3A_373, %get3A_378, %dot_general3A_379 {dimension_numbers = #tpu.dot_dimension_numbers<[1], [0], [0], [1], [0, 0, 1, 1], [], []>, transpose_lhs_hint = false} : vector<2000x128xf32>, vector<128x128xf32>, vector<2000x128xf32> -> vector<2000x128xf32>
      %get3A_381 = arith.constant 4 : index
      %get3A_382 = arith.constant 0 : index
      %get3A_383 = vector.load %arg12[%get3A_381, %get3A_382] : memref<12x128xf32, #tpu.memory_space<vmem>>, vector<1x128xf32>
      %add3A_384 = vector.broadcast %get3A_383 : vector<1x128xf32> to vector<2000x128xf32>
      %add3A_385 = arith.addf %dot_general3A_380, %add3A_384 : vector<2000x128xf32>
      %max3A_386 = arith.constant 0.000000e+00 : f32
      %max3A_387 = vector.broadcast %max3A_386 : f32 to vector<2000x128xf32>
      %max3A_388 = arith.maximumf %add3A_385, %max3A_387 : vector<2000x128xf32>
      %get3A_389 = arith.constant 4 : index
      %get3A_390 = arith.constant 0 : index
      %get3A_391 = arith.constant 0 : index
      %get3A_392 = vector.load %arg13[%get3A_389, %get3A_390, %get3A_391] : memref<12x128x128xf32, #tpu.memory_space<vmem>>, vector<1x128x128xf32>
      %get3A_393 = vector.shape_cast %get3A_392 : vector<1x128x128xf32> to vector<128x128xf32>
      %dot_general3A_394 = arith.constant dense<0.000000e+00> : vector<2000x128xf32>
      %dot_general3A_395 = tpu.matmul %max3A_388, %get3A_393, %dot_general3A_394 {dimension_numbers = #tpu.dot_dimension_numbers<[1], [0], [0], [1], [0, 0, 1, 1], [], []>, transpose_lhs_hint = false} : vector<2000x128xf32>, vector<128x128xf32>, vector<2000x128xf32> -> vector<2000x128xf32>
      %get3A_396 = arith.constant 4 : index
      %get3A_397 = arith.constant 0 : index
      %get3A_398 = vector.load %arg14[%get3A_396, %get3A_397] : memref<12x128xf32, #tpu.memory_space<vmem>>, vector<1x128xf32>
      %add3A_399 = vector.broadcast %get3A_398 : vector<1x128xf32> to vector<2000x128xf32>
      %add3A_400 = arith.addf %dot_general3A_395, %add3A_399 : vector<2000x128xf32>
      %max3A_401 = arith.constant 0.000000e+00 : f32
      %max3A_402 = vector.broadcast %max3A_401 : f32 to vector<2000x128xf32>
      %max3A_403 = arith.maximumf %add3A_400, %max3A_402 : vector<2000x128xf32>
      %get3A_404 = arith.constant 0 : index
      %get3A_405 = arith.constant 4 : index
      %get3A_406 = vector.load %arg15[%get3A_404, %get3A_405] : memref<128x12xf32, #tpu.memory_space<vmem>>, vector<128x1xf32>
      %dot_general3A_407 = arith.constant dense<0.000000e+00> : vector<2000x1xf32>
      %dot_general3A_408 = tpu.matmul %max3A_403, %get3A_406, %dot_general3A_407 {dimension_numbers = #tpu.dot_dimension_numbers<[1], [0], [0], [1], [0, 0, 1, 1], [], []>, transpose_lhs_hint = false} : vector<2000x128xf32>, vector<128x1xf32>, vector<2000x1xf32> -> vector<2000x1xf32>
      %get3A_409 = arith.constant 0 : index
      %get3A_410 = arith.constant 4 : index
      %get3A_411 = vector.load %arg16[%get3A_409, %get3A_410] : memref<1x12xf32, #tpu.memory_space<vmem>>, vector<1x1xf32>
      %get3A_412 = vector.extract %get3A_411[0, 0] : f32 from vector<1x1xf32>
      %add3A_413 = vector.broadcast %get3A_412 : f32 to vector<2000x1xf32>
      %add3A_414 = arith.addf %dot_general3A_408, %add3A_413 : vector<2000x1xf32>
      %swap3A_415 = arith.constant 0 : index
      %swap3A_416 = arith.constant 4 : index
      %swap3A_417 = vector.load %arg17[%swap3A_415, %swap3A_416] : memref<2000x12xf32, #tpu.memory_space<vmem>>, vector<2000x1xf32>
      tpu.vector_store %arg17[%swap3A_415, %swap3A_416], %add3A_414 {strides = array<i32>} : memref<2000x12xf32, #tpu.memory_space<vmem>>, vector<2000x1xf32>,
      %get3A_418 = arith.constant 0 : index
      %get3A_419 = arith.constant 640 : index
      %get3A_420 = vector.load %arg18[%get3A_418, %get3A_419] : memref<2024x1536xf32, #tpu.memory_space<vmem>>, vector<2000x128xf32>
      %get3A_421 = arith.constant 5 : index
      %get3A_422 = arith.constant 0 : index
      %get3A_423 = arith.constant 0 : index
      %get3A_424 = vector.load %arg9[%get3A_421, %get3A_422, %get3A_423] : memref<12x128x128xf32, #tpu.memory_space<vmem>>, vector<1x128x128xf32>
      %get3A_425 = vector.shape_cast %get3A_424 : vector<1x128x128xf32> to vector<128x128xf32>
      %dot_general3A_426 = arith.constant dense<0.000000e+00> : vector<2000x128xf32>
      %dot_general3A_427 = tpu.matmul %get3A_420, %get3A_425, %dot_general3A_426 {dimension_numbers = #tpu.dot_dimension_numbers<[1], [0], [0], [1], [0, 0, 1, 1], [], []>, transpose_lhs_hint = false} : vector<2000x128xf32>, vector<128x128xf32>, vector<2000x128xf32> -> vector<2000x128xf32>
      %get3A_428 = arith.constant 5 : index
      %get3A_429 = arith.constant 0 : index
      %get3A_430 = vector.load %arg10[%get3A_428, %get3A_429] : memref<12x128xf32, #tpu.memory_space<vmem>>, vector<1x128xf32>
      %add3A_431 = vector.broadcast %get3A_430 : vector<1x128xf32> to vector<2000x128xf32>
      %add3A_432 = arith.addf %dot_general3A_427, %add3A_431 : vector<2000x128xf32>
      %max3A_433 = arith.constant 0.000000e+00 : f32
      %max3A_434 = vector.broadcast %max3A_433 : f32 to vector<2000x128xf32>
      %max3A_435 = arith.maximumf %add3A_432, %max3A_434 : vector<2000x128xf32>
      %get3A_436 = arith.constant 5 : index
      %get3A_437 = arith.constant 0 : index
      %get3A_438 = arith.constant 0 : index
      %get3A_439 = vector.load %arg11[%get3A_436, %get3A_437, %get3A_438] : memref<12x128x128xf32, #tpu.memory_space<vmem>>, vector<1x128x128xf32>
      %get3A_440 = vector.shape_cast %get3A_439 : vector<1x128x128xf32> to vector<128x128xf32>
      %dot_general3A_441 = arith.constant dense<0.000000e+00> : vector<2000x128xf32>
      %dot_general3A_442 = tpu.matmul %max3A_435, %get3A_440, %dot_general3A_441 {dimension_numbers = #tpu.dot_dimension_numbers<[1], [0], [0], [1], [0, 0, 1, 1], [], []>, transpose_lhs_hint = false} : vector<2000x128xf32>, vector<128x128xf32>, vector<2000x128xf32> -> vector<2000x128xf32>
      %get3A_443 = arith.constant 5 : index
      %get3A_444 = arith.constant 0 : index
      %get3A_445 = vector.load %arg12[%get3A_443, %get3A_444] : memref<12x128xf32, #tpu.memory_space<vmem>>, vector<1x128xf32>
      %add3A_446 = vector.broadcast %get3A_445 : vector<1x128xf32> to vector<2000x128xf32>
      %add3A_447 = arith.addf %dot_general3A_442, %add3A_446 : vector<2000x128xf32>
      %max3A_448 = arith.constant 0.000000e+00 : f32
      %max3A_449 = vector.broadcast %max3A_448 : f32 to vector<2000x128xf32>
      %max3A_450 = arith.maximumf %add3A_447, %max3A_449 : vector<2000x128xf32>
      %get3A_451 = arith.constant 5 : index
      %get3A_452 = arith.constant 0 : index
      %get3A_453 = arith.constant 0 : index
      %get3A_454 = vector.load %arg13[%get3A_451, %get3A_452, %get3A_453] : memref<12x128x128xf32, #tpu.memory_space<vmem>>, vector<1x128x128xf32>
      %get3A_455 = vector.shape_cast %get3A_454 : vector<1x128x128xf32> to vector<128x128xf32>
      %dot_general3A_456 = arith.constant dense<0.000000e+00> : vector<2000x128xf32>
      %dot_general3A_457 = tpu.matmul %max3A_450, %get3A_455, %dot_general3A_456 {dimension_numbers = #tpu.dot_dimension_numbers<[1], [0], [0], [1], [0, 0, 1, 1], [], []>, transpose_lhs_hint = false} : vector<2000x128xf32>, vector<128x128xf32>, vector<2000x128xf32> -> vector<2000x128xf32>
      %get3A_458 = arith.constant 5 : index
      %get3A_459 = arith.constant 0 : index
      %get3A_460 = vector.load %arg14[%get3A_458, %get3A_459] : memref<12x128xf32, #tpu.memory_space<vmem>>, vector<1x128xf32>
      %add3A_461 = vector.broadcast %get3A_460 : vector<1x128xf32> to vector<2000x128xf32>
      %add3A_462 = arith.addf %dot_general3A_457, %add3A_461 : vector<2000x128xf32>
      %max3A_463 = arith.constant 0.000000e+00 : f32
      %max3A_464 = vector.broadcast %max3A_463 : f32 to vector<2000x128xf32>
      %max3A_465 = arith.maximumf %add3A_462, %max3A_464 : vector<2000x128xf32>
      %get3A_466 = arith.constant 0 : index
      %get3A_467 = arith.constant 5 : index
      %get3A_468 = vector.load %arg15[%get3A_466, %get3A_467] : memref<128x12xf32, #tpu.memory_space<vmem>>, vector<128x1xf32>
      %dot_general3A_469 = arith.constant dense<0.000000e+00> : vector<2000x1xf32>
      %dot_general3A_470 = tpu.matmul %max3A_465, %get3A_468, %dot_general3A_469 {dimension_numbers = #tpu.dot_dimension_numbers<[1], [0], [0], [1], [0, 0, 1, 1], [], []>, transpose_lhs_hint = false} : vector<2000x128xf32>, vector<128x1xf32>, vector<2000x1xf32> -> vector<2000x1xf32>
      %get3A_471 = arith.constant 0 : index
      %get3A_472 = arith.constant 5 : index
      %get3A_473 = vector.load %arg16[%get3A_471, %get3A_472] : memref<1x12xf32, #tpu.memory_space<vmem>>, vector<1x1xf32>
      %get3A_474 = vector.extract %get3A_473[0, 0] : f32 from vector<1x1xf32>
      %add3A_475 = vector.broadcast %get3A_474 : f32 to vector<2000x1xf32>
      %add3A_476 = arith.addf %dot_general3A_470, %add3A_475 : vector<2000x1xf32>
      %swap3A_477 = arith.constant 0 : index
      %swap3A_478 = arith.constant 5 : index
      %swap3A_479 = vector.load %arg17[%swap3A_477, %swap3A_478] : memref<2000x12xf32, #tpu.memory_space<vmem>>, vector<2000x1xf32>
      tpu.vector_store %arg17[%swap3A_477, %swap3A_478], %add3A_476 {strides = array<i32>} : memref<2000x12xf32, #tpu.memory_space<vmem>>, vector<2000x1xf32>,
      %get3A_480 = arith.constant 0 : index
      %get3A_481 = arith.constant 768 : index
      %get3A_482 = vector.load %arg18[%get3A_480, %get3A_481] : memref<2024x1536xf32, #tpu.memory_space<vmem>>, vector<2000x128xf32>
      %get3A_483 = arith.constant 6 : index
      %get3A_484 = arith.constant 0 : index
      %get3A_485 = arith.constant 0 : index
      %get3A_486 = vector.load %arg9[%get3A_483, %get3A_484, %get3A_485] : memref<12x128x128xf32, #tpu.memory_space<vmem>>, vector<1x128x128xf32>
      %get3A_487 = vector.shape_cast %get3A_486 : vector<1x128x128xf32> to vector<128x128xf32>
      %dot_general3A_488 = arith.constant dense<0.000000e+00> : vector<2000x128xf32>
      %dot_general3A_489 = tpu.matmul %get3A_482, %get3A_487, %dot_general3A_488 {dimension_numbers = #tpu.dot_dimension_numbers<[1], [0], [0], [1], [0, 0, 1, 1], [], []>, transpose_lhs_hint = false} : vector<2000x128xf32>, vector<128x128xf32>, vector<2000x128xf32> -> vector<2000x128xf32>
      %get3A_490 = arith.constant 6 : index
      %get3A_491 = arith.constant 0 : index
      %get3A_492 = vector.load %arg10[%get3A_490, %get3A_491] : memref<12x128xf32, #tpu.memory_space<vmem>>, vector<1x128xf32>
      %add3A_493 = vector.broadcast %get3A_492 : vector<1x128xf32> to vector<2000x128xf32>
      %add3A_494 = arith.addf %dot_general3A_489, %add3A_493 : vector<2000x128xf32>
      %max3A_495 = arith.constant 0.000000e+00 : f32
      %max3A_496 = vector.broadcast %max3A_495 : f32 to vector<2000x128xf32>
      %max3A_497 = arith.maximumf %add3A_494, %max3A_496 : vector<2000x128xf32>
      %get3A_498 = arith.constant 6 : index
      %get3A_499 = arith.constant 0 : index
      %get3A_500 = arith.constant 0 : index
      %get3A_501 = vector.load %arg11[%get3A_498, %get3A_499, %get3A_500] : memref<12x128x128xf32, #tpu.memory_space<vmem>>, vector<1x128x128xf32>
      %get3A_502 = vector.shape_cast %get3A_501 : vector<1x128x128xf32> to vector<128x128xf32>
      %dot_general3A_503 = arith.constant dense<0.000000e+00> : vector<2000x128xf32>
      %dot_general3A_504 = tpu.matmul %max3A_497, %get3A_502, %dot_general3A_503 {dimension_numbers = #tpu.dot_dimension_numbers<[1], [0], [0], [1], [0, 0, 1, 1], [], []>, transpose_lhs_hint = false} : vector<2000x128xf32>, vector<128x128xf32>, vector<2000x128xf32> -> vector<2000x128xf32>
      %get3A_505 = arith.constant 6 : index
      %get3A_506 = arith.constant 0 : index
      %get3A_507 = vector.load %arg12[%get3A_505, %get3A_506] : memref<12x128xf32, #tpu.memory_space<vmem>>, vector<1x128xf32>
      %add3A_508 = vector.broadcast %get3A_507 : vector<1x128xf32> to vector<2000x128xf32>
      %add3A_509 = arith.addf %dot_general3A_504, %add3A_508 : vector<2000x128xf32>
      %max3A_510 = arith.constant 0.000000e+00 : f32
      %max3A_511 = vector.broadcast %max3A_510 : f32 to vector<2000x128xf32>
      %max3A_512 = arith.maximumf %add3A_509, %max3A_511 : vector<2000x128xf32>
      %get3A_513 = arith.constant 6 : index
      %get3A_514 = arith.constant 0 : index
      %get3A_515 = arith.constant 0 : index
      %get3A_516 = vector.load %arg13[%get3A_513, %get3A_514, %get3A_515] : memref<12x128x128xf32, #tpu.memory_space<vmem>>, vector<1x128x128xf32>
      %get3A_517 = vector.shape_cast %get3A_516 : vector<1x128x128xf32> to vector<128x128xf32>
      %dot_general3A_518 = arith.constant dense<0.000000e+00> : vector<2000x128xf32>
      %dot_general3A_519 = tpu.matmul %max3A_512, %get3A_517, %dot_general3A_518 {dimension_numbers = #tpu.dot_dimension_numbers<[1], [0], [0], [1], [0, 0, 1, 1], [], []>, transpose_lhs_hint = false} : vector<2000x128xf32>, vector<128x128xf32>, vector<2000x128xf32> -> vector<2000x128xf32>
      %get3A_520 = arith.constant 6 : index
      %get3A_521 = arith.constant 0 : index
      %get3A_522 = vector.load %arg14[%get3A_520, %get3A_521] : memref<12x128xf32, #tpu.memory_space<vmem>>, vector<1x128xf32>
      %add3A_523 = vector.broadcast %get3A_522 : vector<1x128xf32> to vector<2000x128xf32>
      %add3A_524 = arith.addf %dot_general3A_519, %add3A_523 : vector<2000x128xf32>
      %max3A_525 = arith.constant 0.000000e+00 : f32
      %max3A_526 = vector.broadcast %max3A_525 : f32 to vector<2000x128xf32>
      %max3A_527 = arith.maximumf %add3A_524, %max3A_526 : vector<2000x128xf32>
      %get3A_528 = arith.constant 0 : index
      %get3A_529 = arith.constant 6 : index
      %get3A_530 = vector.load %arg15[%get3A_528, %get3A_529] : memref<128x12xf32, #tpu.memory_space<vmem>>, vector<128x1xf32>
      %dot_general3A_531 = arith.constant dense<0.000000e+00> : vector<2000x1xf32>
      %dot_general3A_532 = tpu.matmul %max3A_527, %get3A_530, %dot_general3A_531 {dimension_numbers = #tpu.dot_dimension_numbers<[1], [0], [0], [1], [0, 0, 1, 1], [], []>, transpose_lhs_hint = false} : vector<2000x128xf32>, vector<128x1xf32>, vector<2000x1xf32> -> vector<2000x1xf32>
      %get3A_533 = arith.constant 0 : index
      %get3A_534 = arith.constant 6 : index
      %get3A_535 = vector.load %arg16[%get3A_533, %get3A_534] : memref<1x12xf32, #tpu.memory_space<vmem>>, vector<1x1xf32>
      %get3A_536 = vector.extract %get3A_535[0, 0] : f32 from vector<1x1xf32>
      %add3A_537 = vector.broadcast %get3A_536 : f32 to vector<2000x1xf32>
      %add3A_538 = arith.addf %dot_general3A_532, %add3A_537 : vector<2000x1xf32>
      %swap3A_539 = arith.constant 0 : index
      %swap3A_540 = arith.constant 6 : index
      %swap3A_541 = vector.load %arg17[%swap3A_539, %swap3A_540] : memref<2000x12xf32, #tpu.memory_space<vmem>>, vector<2000x1xf32>
      tpu.vector_store %arg17[%swap3A_539, %swap3A_540], %add3A_538 {strides = array<i32>} : memref<2000x12xf32, #tpu.memory_space<vmem>>, vector<2000x1xf32>,
      %get3A_542 = arith.constant 0 : index
      %get3A_543 = arith.constant 896 : index
      %get3A_544 = vector.load %arg18[%get3A_542, %get3A_543] : memref<2024x1536xf32, #tpu.memory_space<vmem>>, vector<2000x128xf32>
      %get3A_545 = arith.constant 7 : index
      %get3A_546 = arith.constant 0 : index
      %get3A_547 = arith.constant 0 : index
      %get3A_548 = vector.load %arg9[%get3A_545, %get3A_546, %get3A_547] : memref<12x128x128xf32, #tpu.memory_space<vmem>>, vector<1x128x128xf32>
      %get3A_549 = vector.shape_cast %get3A_548 : vector<1x128x128xf32> to vector<128x128xf32>
      %dot_general3A_550 = arith.constant dense<0.000000e+00> : vector<2000x128xf32>
      %dot_general3A_551 = tpu.matmul %get3A_544, %get3A_549, %dot_general3A_550 {dimension_numbers = #tpu.dot_dimension_numbers<[1], [0], [0], [1], [0, 0, 1, 1], [], []>, transpose_lhs_hint = false} : vector<2000x128xf32>, vector<128x128xf32>, vector<2000x128xf32> -> vector<2000x128xf32>
      %get3A_552 = arith.constant 7 : index
      %get3A_553 = arith.constant 0 : index
      %get3A_554 = vector.load %arg10[%get3A_552, %get3A_553] : memref<12x128xf32, #tpu.memory_space<vmem>>, vector<1x128xf32>
      %add3A_555 = vector.broadcast %get3A_554 : vector<1x128xf32> to vector<2000x128xf32>
      %add3A_556 = arith.addf %dot_general3A_551, %add3A_555 : vector<2000x128xf32>
      %max3A_557 = arith.constant 0.000000e+00 : f32
      %max3A_558 = vector.broadcast %max3A_557 : f32 to vector<2000x128xf32>
      %max3A_559 = arith.maximumf %add3A_556, %max3A_558 : vector<2000x128xf32>
      %get3A_560 = arith.constant 7 : index
      %get3A_561 = arith.constant 0 : index
      %get3A_562 = arith.constant 0 : index
      %get3A_563 = vector.load %arg11[%get3A_560, %get3A_561, %get3A_562] : memref<12x128x128xf32, #tpu.memory_space<vmem>>, vector<1x128x128xf32>
      %get3A_564 = vector.shape_cast %get3A_563 : vector<1x128x128xf32> to vector<128x128xf32>
      %dot_general3A_565 = arith.constant dense<0.000000e+00> : vector<2000x128xf32>
      %dot_general3A_566 = tpu.matmul %max3A_559, %get3A_564, %dot_general3A_565 {dimension_numbers = #tpu.dot_dimension_numbers<[1], [0], [0], [1], [0, 0, 1, 1], [], []>, transpose_lhs_hint = false} : vector<2000x128xf32>, vector<128x128xf32>, vector<2000x128xf32> -> vector<2000x128xf32>
      %get3A_567 = arith.constant 7 : index
      %get3A_568 = arith.constant 0 : index
      %get3A_569 = vector.load %arg12[%get3A_567, %get3A_568] : memref<12x128xf32, #tpu.memory_space<vmem>>, vector<1x128xf32>
      %add3A_570 = vector.broadcast %get3A_569 : vector<1x128xf32> to vector<2000x128xf32>
      %add3A_571 = arith.addf %dot_general3A_566, %add3A_570 : vector<2000x128xf32>
      %max3A_572 = arith.constant 0.000000e+00 : f32
      %max3A_573 = vector.broadcast %max3A_572 : f32 to vector<2000x128xf32>
      %max3A_574 = arith.maximumf %add3A_571, %max3A_573 : vector<2000x128xf32>
      %get3A_575 = arith.constant 7 : index
      %get3A_576 = arith.constant 0 : index
      %get3A_577 = arith.constant 0 : index
      %get3A_578 = vector.load %arg13[%get3A_575, %get3A_576, %get3A_577] : memref<12x128x128xf32, #tpu.memory_space<vmem>>, vector<1x128x128xf32>
      %get3A_579 = vector.shape_cast %get3A_578 : vector<1x128x128xf32> to vector<128x128xf32>
      %dot_general3A_580 = arith.constant dense<0.000000e+00> : vector<2000x128xf32>
      %dot_general3A_581 = tpu.matmul %max3A_574, %get3A_579, %dot_general3A_580 {dimension_numbers = #tpu.dot_dimension_numbers<[1], [0], [0], [1], [0, 0, 1, 1], [], []>, transpose_lhs_hint = false} : vector<2000x128xf32>, vector<128x128xf32>, vector<2000x128xf32> -> vector<2000x128xf32>
      %get3A_582 = arith.constant 7 : index
      %get3A_583 = arith.constant 0 : index
      %get3A_584 = vector.load %arg14[%get3A_582, %get3A_583] : memref<12x128xf32, #tpu.memory_space<vmem>>, vector<1x128xf32>
      %add3A_585 = vector.broadcast %get3A_584 : vector<1x128xf32> to vector<2000x128xf32>
      %add3A_586 = arith.addf %dot_general3A_581, %add3A_585 : vector<2000x128xf32>
      %max3A_587 = arith.constant 0.000000e+00 : f32
      %max3A_588 = vector.broadcast %max3A_587 : f32 to vector<2000x128xf32>
      %max3A_589 = arith.maximumf %add3A_586, %max3A_588 : vector<2000x128xf32>
      %get3A_590 = arith.constant 0 : index
      %get3A_591 = arith.constant 7 : index
      %get3A_592 = vector.load %arg15[%get3A_590, %get3A_591] : memref<128x12xf32, #tpu.memory_space<vmem>>, vector<128x1xf32>
      %dot_general3A_593 = arith.constant dense<0.000000e+00> : vector<2000x1xf32>
      %dot_general3A_594 = tpu.matmul %max3A_589, %get3A_592, %dot_general3A_593 {dimension_numbers = #tpu.dot_dimension_numbers<[1], [0], [0], [1], [0, 0, 1, 1], [], []>, transpose_lhs_hint = false} : vector<2000x128xf32>, vector<128x1xf32>, vector<2000x1xf32> -> vector<2000x1xf32>
      %get3A_595 = arith.constant 0 : index
      %get3A_596 = arith.constant 7 : index
      %get3A_597 = vector.load %arg16[%get3A_595, %get3A_596] : memref<1x12xf32, #tpu.memory_space<vmem>>, vector<1x1xf32>
      %get3A_598 = vector.extract %get3A_597[0, 0] : f32 from vector<1x1xf32>
      %add3A_599 = vector.broadcast %get3A_598 : f32 to vector<2000x1xf32>
      %add3A_600 = arith.addf %dot_general3A_594, %add3A_599 : vector<2000x1xf32>
      %swap3A_601 = arith.constant 0 : index
      %swap3A_602 = arith.constant 7 : index
      %swap3A_603 = vector.load %arg17[%swap3A_601, %swap3A_602] : memref<2000x12xf32, #tpu.memory_space<vmem>>, vector<2000x1xf32>
      tpu.vector_store %arg17[%swap3A_601, %swap3A_602], %add3A_600 {strides = array<i32>} : memref<2000x12xf32, #tpu.memory_space<vmem>>, vector<2000x1xf32>,
      %get3A_604 = arith.constant 0 : index
      %get3A_605 = arith.constant 1024 : index
      %get3A_606 = vector.load %arg18[%get3A_604, %get3A_605] : memref<2024x1536xf32, #tpu.memory_space<vmem>>, vector<2000x128xf32>
      %get3A_607 = arith.constant 8 : index
      %get3A_608 = arith.constant 0 : index
      %get3A_609 = arith.constant 0 : index
      %get3A_610 = vector.load %arg9[%get3A_607, %get3A_608, %get3A_609] : memref<12x128x128xf32, #tpu.memory_space<vmem>>, vector<1x128x128xf32>
      %get3A_611 = vector.shape_cast %get3A_610 : vector<1x128x128xf32> to vector<128x128xf32>
      %dot_general3A_612 = arith.constant dense<0.000000e+00> : vector<2000x128xf32>
      %dot_general3A_613 = tpu.matmul %get3A_606, %get3A_611, %dot_general3A_612 {dimension_numbers = #tpu.dot_dimension_numbers<[1], [0], [0], [1], [0, 0, 1, 1], [], []>, transpose_lhs_hint = false} : vector<2000x128xf32>, vector<128x128xf32>, vector<2000x128xf32> -> vector<2000x128xf32>
      %get3A_614 = arith.constant 8 : index
      %get3A_615 = arith.constant 0 : index
      %get3A_616 = vector.load %arg10[%get3A_614, %get3A_615] : memref<12x128xf32, #tpu.memory_space<vmem>>, vector<1x128xf32>
      %add3A_617 = vector.broadcast %get3A_616 : vector<1x128xf32> to vector<2000x128xf32>
      %add3A_618 = arith.addf %dot_general3A_613, %add3A_617 : vector<2000x128xf32>
      %max3A_619 = arith.constant 0.000000e+00 : f32
      %max3A_620 = vector.broadcast %max3A_619 : f32 to vector<2000x128xf32>
      %max3A_621 = arith.maximumf %add3A_618, %max3A_620 : vector<2000x128xf32>
      %get3A_622 = arith.constant 8 : index
      %get3A_623 = arith.constant 0 : index
      %get3A_624 = arith.constant 0 : index
      %get3A_625 = vector.load %arg11[%get3A_622, %get3A_623, %get3A_624] : memref<12x128x128xf32, #tpu.memory_space<vmem>>, vector<1x128x128xf32>
      %get3A_626 = vector.shape_cast %get3A_625 : vector<1x128x128xf32> to vector<128x128xf32>
      %dot_general3A_627 = arith.constant dense<0.000000e+00> : vector<2000x128xf32>
      %dot_general3A_628 = tpu.matmul %max3A_621, %get3A_626, %dot_general3A_627 {dimension_numbers = #tpu.dot_dimension_numbers<[1], [0], [0], [1], [0, 0, 1, 1], [], []>, transpose_lhs_hint = false} : vector<2000x128xf32>, vector<128x128xf32>, vector<2000x128xf32> -> vector<2000x128xf32>
      %get3A_629 = arith.constant 8 : index
      %get3A_630 = arith.constant 0 : index
      %get3A_631 = vector.load %arg12[%get3A_629, %get3A_630] : memref<12x128xf32, #tpu.memory_space<vmem>>, vector<1x128xf32>
      %add3A_632 = vector.broadcast %get3A_631 : vector<1x128xf32> to vector<2000x128xf32>
      %add3A_633 = arith.addf %dot_general3A_628, %add3A_632 : vector<2000x128xf32>
      %max3A_634 = arith.constant 0.000000e+00 : f32
      %max3A_635 = vector.broadcast %max3A_634 : f32 to vector<2000x128xf32>
      %max3A_636 = arith.maximumf %add3A_633, %max3A_635 : vector<2000x128xf32>
      %get3A_637 = arith.constant 8 : index
      %get3A_638 = arith.constant 0 : index
      %get3A_639 = arith.constant 0 : index
      %get3A_640 = vector.load %arg13[%get3A_637, %get3A_638, %get3A_639] : memref<12x128x128xf32, #tpu.memory_space<vmem>>, vector<1x128x128xf32>
      %get3A_641 = vector.shape_cast %get3A_640 : vector<1x128x128xf32> to vector<128x128xf32>
      %dot_general3A_642 = arith.constant dense<0.000000e+00> : vector<2000x128xf32>
      %dot_general3A_643 = tpu.matmul %max3A_636, %get3A_641, %dot_general3A_642 {dimension_numbers = #tpu.dot_dimension_numbers<[1], [0], [0], [1], [0, 0, 1, 1], [], []>, transpose_lhs_hint = false} : vector<2000x128xf32>, vector<128x128xf32>, vector<2000x128xf32> -> vector<2000x128xf32>
      %get3A_644 = arith.constant 8 : index
      %get3A_645 = arith.constant 0 : index
      %get3A_646 = vector.load %arg14[%get3A_644, %get3A_645] : memref<12x128xf32, #tpu.memory_space<vmem>>, vector<1x128xf32>
      %add3A_647 = vector.broadcast %get3A_646 : vector<1x128xf32> to vector<2000x128xf32>
      %add3A_648 = arith.addf %dot_general3A_643, %add3A_647 : vector<2000x128xf32>
      %max3A_649 = arith.constant 0.000000e+00 : f32
      %max3A_650 = vector.broadcast %max3A_649 : f32 to vector<2000x128xf32>
      %max3A_651 = arith.maximumf %add3A_648, %max3A_650 : vector<2000x128xf32>
      %get3A_652 = arith.constant 0 : index
      %get3A_653 = arith.constant 8 : index
      %get3A_654 = vector.load %arg15[%get3A_652, %get3A_653] : memref<128x12xf32, #tpu.memory_space<vmem>>, vector<128x1xf32>
      %dot_general3A_655 = arith.constant dense<0.000000e+00> : vector<2000x1xf32>
      %dot_general3A_656 = tpu.matmul %max3A_651, %get3A_654, %dot_general3A_655 {dimension_numbers = #tpu.dot_dimension_numbers<[1], [0], [0], [1], [0, 0, 1, 1], [], []>, transpose_lhs_hint = false} : vector<2000x128xf32>, vector<128x1xf32>, vector<2000x1xf32> -> vector<2000x1xf32>
      %get3A_657 = arith.constant 0 : index
      %get3A_658 = arith.constant 8 : index
      %get3A_659 = vector.load %arg16[%get3A_657, %get3A_658] : memref<1x12xf32, #tpu.memory_space<vmem>>, vector<1x1xf32>
      %get3A_660 = vector.extract %get3A_659[0, 0] : f32 from vector<1x1xf32>
      %add3A_661 = vector.broadcast %get3A_660 : f32 to vector<2000x1xf32>
      %add3A_662 = arith.addf %dot_general3A_656, %add3A_661 : vector<2000x1xf32>
      %swap3A_663 = arith.constant 0 : index
      %swap3A_664 = arith.constant 8 : index
      %swap3A_665 = vector.load %arg17[%swap3A_663, %swap3A_664] : memref<2000x12xf32, #tpu.memory_space<vmem>>, vector<2000x1xf32>
      tpu.vector_store %arg17[%swap3A_663, %swap3A_664], %add3A_662 {strides = array<i32>} : memref<2000x12xf32, #tpu.memory_space<vmem>>, vector<2000x1xf32>,
      %get3A_666 = arith.constant 0 : index
      %get3A_667 = arith.constant 1152 : index
      %get3A_668 = vector.load %arg18[%get3A_666, %get3A_667] : memref<2024x1536xf32, #tpu.memory_space<vmem>>, vector<2000x128xf32>
      %get3A_669 = arith.constant 9 : index
      %get3A_670 = arith.constant 0 : index
      %get3A_671 = arith.constant 0 : index
      %get3A_672 = vector.load %arg9[%get3A_669, %get3A_670, %get3A_671] : memref<12x128x128xf32, #tpu.memory_space<vmem>>, vector<1x128x128xf32>
      %get3A_673 = vector.shape_cast %get3A_672 : vector<1x128x128xf32> to vector<128x128xf32>
      %dot_general3A_674 = arith.constant dense<0.000000e+00> : vector<2000x128xf32>
      %dot_general3A_675 = tpu.matmul %get3A_668, %get3A_673, %dot_general3A_674 {dimension_numbers = #tpu.dot_dimension_numbers<[1], [0], [0], [1], [0, 0, 1, 1], [], []>, transpose_lhs_hint = false} : vector<2000x128xf32>, vector<128x128xf32>, vector<2000x128xf32> -> vector<2000x128xf32>
      %get3A_676 = arith.constant 9 : index
      %get3A_677 = arith.constant 0 : index
      %get3A_678 = vector.load %arg10[%get3A_676, %get3A_677] : memref<12x128xf32, #tpu.memory_space<vmem>>, vector<1x128xf32>
      %add3A_679 = vector.broadcast %get3A_678 : vector<1x128xf32> to vector<2000x128xf32>
      %add3A_680 = arith.addf %dot_general3A_675, %add3A_679 : vector<2000x128xf32>
      %max3A_681 = arith.constant 0.000000e+00 : f32
      %max3A_682 = vector.broadcast %max3A_681 : f32 to vector<2000x128xf32>
      %max3A_683 = arith.maximumf %add3A_680, %max3A_682 : vector<2000x128xf32>
      %get3A_684 = arith.constant 9 : index
      %get3A_685 = arith.constant 0 : index
      %get3A_686 = arith.constant 0 : index
      %get3A_687 = vector.load %arg11[%get3A_684, %get3A_685, %get3A_686] : memref<12x128x128xf32, #tpu.memory_space<vmem>>, vector<1x128x128xf32>
      %get3A_688 = vector.shape_cast %get3A_687 : vector<1x128x128xf32> to vector<128x128xf32>
      %dot_general3A_689 = arith.constant dense<0.000000e+00> : vector<2000x128xf32>
      %dot_general3A_690 = tpu.matmul %max3A_683, %get3A_688, %dot_general3A_689 {dimension_numbers = #tpu.dot_dimension_numbers<[1], [0], [0], [1], [0, 0, 1, 1], [], []>, transpose_lhs_hint = false} : vector<2000x128xf32>, vector<128x128xf32>, vector<2000x128xf32> -> vector<2000x128xf32>
      %get3A_691 = arith.constant 9 : index
      %get3A_692 = arith.constant 0 : index
      %get3A_693 = vector.load %arg12[%get3A_691, %get3A_692] : memref<12x128xf32, #tpu.memory_space<vmem>>, vector<1x128xf32>
      %add3A_694 = vector.broadcast %get3A_693 : vector<1x128xf32> to vector<2000x128xf32>
      %add3A_695 = arith.addf %dot_general3A_690, %add3A_694 : vector<2000x128xf32>
      %max3A_696 = arith.constant 0.000000e+00 : f32
      %max3A_697 = vector.broadcast %max3A_696 : f32 to vector<2000x128xf32>
      %max3A_698 = arith.maximumf %add3A_695, %max3A_697 : vector<2000x128xf32>
      %get3A_699 = arith.constant 9 : index
      %get3A_700 = arith.constant 0 : index
      %get3A_701 = arith.constant 0 : index
      %get3A_702 = vector.load %arg13[%get3A_699, %get3A_700, %get3A_701] : memref<12x128x128xf32, #tpu.memory_space<vmem>>, vector<1x128x128xf32>
      %get3A_703 = vector.shape_cast %get3A_702 : vector<1x128x128xf32> to vector<128x128xf32>
      %dot_general3A_704 = arith.constant dense<0.000000e+00> : vector<2000x128xf32>
      %dot_general3A_705 = tpu.matmul %max3A_698, %get3A_703, %dot_general3A_704 {dimension_numbers = #tpu.dot_dimension_numbers<[1], [0], [0], [1], [0, 0, 1, 1], [], []>, transpose_lhs_hint = false} : vector<2000x128xf32>, vector<128x128xf32>, vector<2000x128xf32> -> vector<2000x128xf32>
      %get3A_706 = arith.constant 9 : index
      %get3A_707 = arith.constant 0 : index
      %get3A_708 = vector.load %arg14[%get3A_706, %get3A_707] : memref<12x128xf32, #tpu.memory_space<vmem>>, vector<1x128xf32>
      %add3A_709 = vector.broadcast %get3A_708 : vector<1x128xf32> to vector<2000x128xf32>
      %add3A_710 = arith.addf %dot_general3A_705, %add3A_709 : vector<2000x128xf32>
      %max3A_711 = arith.constant 0.000000e+00 : f32
      %max3A_712 = vector.broadcast %max3A_711 : f32 to vector<2000x128xf32>
      %max3A_713 = arith.maximumf %add3A_710, %max3A_712 : vector<2000x128xf32>
      %get3A_714 = arith.constant 0 : index
      %get3A_715 = arith.constant 9 : index
      %get3A_716 = vector.load %arg15[%get3A_714, %get3A_715] : memref<128x12xf32, #tpu.memory_space<vmem>>, vector<128x1xf32>
      %dot_general3A_717 = arith.constant dense<0.000000e+00> : vector<2000x1xf32>
      %dot_general3A_718 = tpu.matmul %max3A_713, %get3A_716, %dot_general3A_717 {dimension_numbers = #tpu.dot_dimension_numbers<[1], [0], [0], [1], [0, 0, 1, 1], [], []>, transpose_lhs_hint = false} : vector<2000x128xf32>, vector<128x1xf32>, vector<2000x1xf32> -> vector<2000x1xf32>
      %get3A_719 = arith.constant 0 : index
      %get3A_720 = arith.constant 9 : index
      %get3A_721 = vector.load %arg16[%get3A_719, %get3A_720] : memref<1x12xf32, #tpu.memory_space<vmem>>, vector<1x1xf32>
      %get3A_722 = vector.extract %get3A_721[0, 0] : f32 from vector<1x1xf32>
      %add3A_723 = vector.broadcast %get3A_722 : f32 to vector<2000x1xf32>
      %add3A_724 = arith.addf %dot_general3A_718, %add3A_723 : vector<2000x1xf32>
      %swap3A_725 = arith.constant 0 : index
      %swap3A_726 = arith.constant 9 : index
      %swap3A_727 = vector.load %arg17[%swap3A_725, %swap3A_726] : memref<2000x12xf32, #tpu.memory_space<vmem>>, vector<2000x1xf32>
      tpu.vector_store %arg17[%swap3A_725, %swap3A_726], %add3A_724 {strides = array<i32>} : memref<2000x12xf32, #tpu.memory_space<vmem>>, vector<2000x1xf32>,
      %get3A_728 = arith.constant 0 : index
      %get3A_729 = arith.constant 1280 : index
      %get3A_730 = vector.load %arg18[%get3A_728, %get3A_729] : memref<2024x1536xf32, #tpu.memory_space<vmem>>, vector<2000x128xf32>
      %get3A_731 = arith.constant 10 : index
      %get3A_732 = arith.constant 0 : index
      %get3A_733 = arith.constant 0 : index
      %get3A_734 = vector.load %arg9[%get3A_731, %get3A_732, %get3A_733] : memref<12x128x128xf32, #tpu.memory_space<vmem>>, vector<1x128x128xf32>
      %get3A_735 = vector.shape_cast %get3A_734 : vector<1x128x128xf32> to vector<128x128xf32>
      %dot_general3A_736 = arith.constant dense<0.000000e+00> : vector<2000x128xf32>
      %dot_general3A_737 = tpu.matmul %get3A_730, %get3A_735, %dot_general3A_736 {dimension_numbers = #tpu.dot_dimension_numbers<[1], [0], [0], [1], [0, 0, 1, 1], [], []>, transpose_lhs_hint = false} : vector<2000x128xf32>, vector<128x128xf32>, vector<2000x128xf32> -> vector<2000x128xf32>
      %get3A_738 = arith.constant 10 : index
      %get3A_739 = arith.constant 0 : index
      %get3A_740 = vector.load %arg10[%get3A_738, %get3A_739] : memref<12x128xf32, #tpu.memory_space<vmem>>, vector<1x128xf32>
      %add3A_741 = vector.broadcast %get3A_740 : vector<1x128xf32> to vector<2000x128xf32>
      %add3A_742 = arith.addf %dot_general3A_737, %add3A_741 : vector<2000x128xf32>
      %max3A_743 = arith.constant 0.000000e+00 : f32
      %max3A_744 = vector.broadcast %max3A_743 : f32 to vector<2000x128xf32>
      %max3A_745 = arith.maximumf %add3A_742, %max3A_744 : vector<2000x128xf32>
      %get3A_746 = arith.constant 10 : index
      %get3A_747 = arith.constant 0 : index
      %get3A_748 = arith.constant 0 : index
      %get3A_749 = vector.load %arg11[%get3A_746, %get3A_747, %get3A_748] : memref<12x128x128xf32, #tpu.memory_space<vmem>>, vector<1x128x128xf32>
      %get3A_750 = vector.shape_cast %get3A_749 : vector<1x128x128xf32> to vector<128x128xf32>
      %dot_general3A_751 = arith.constant dense<0.000000e+00> : vector<2000x128xf32>
      %dot_general3A_752 = tpu.matmul %max3A_745, %get3A_750, %dot_general3A_751 {dimension_numbers = #tpu.dot_dimension_numbers<[1], [0], [0], [1], [0, 0, 1, 1], [], []>, transpose_lhs_hint = false} : vector<2000x128xf32>, vector<128x128xf32>, vector<2000x128xf32> -> vector<2000x128xf32>
      %get3A_753 = arith.constant 10 : index
      %get3A_754 = arith.constant 0 : index
      %get3A_755 = vector.load %arg12[%get3A_753, %get3A_754] : memref<12x128xf32, #tpu.memory_space<vmem>>, vector<1x128xf32>
      %add3A_756 = vector.broadcast %get3A_755 : vector<1x128xf32> to vector<2000x128xf32>
      %add3A_757 = arith.addf %dot_general3A_752, %add3A_756 : vector<2000x128xf32>
      %max3A_758 = arith.constant 0.000000e+00 : f32
      %max3A_759 = vector.broadcast %max3A_758 : f32 to vector<2000x128xf32>
      %max3A_760 = arith.maximumf %add3A_757, %max3A_759 : vector<2000x128xf32>
      %get3A_761 = arith.constant 10 : index
      %get3A_762 = arith.constant 0 : index
      %get3A_763 = arith.constant 0 : index
      %get3A_764 = vector.load %arg13[%get3A_761, %get3A_762, %get3A_763] : memref<12x128x128xf32, #tpu.memory_space<vmem>>, vector<1x128x128xf32>
      %get3A_765 = vector.shape_cast %get3A_764 : vector<1x128x128xf32> to vector<128x128xf32>
      %dot_general3A_766 = arith.constant dense<0.000000e+00> : vector<2000x128xf32>
      %dot_general3A_767 = tpu.matmul %max3A_760, %get3A_765, %dot_general3A_766 {dimension_numbers = #tpu.dot_dimension_numbers<[1], [0], [0], [1], [0, 0, 1, 1], [], []>, transpose_lhs_hint = false} : vector<2000x128xf32>, vector<128x128xf32>, vector<2000x128xf32> -> vector<2000x128xf32>
      %get3A_768 = arith.constant 10 : index
      %get3A_769 = arith.constant 0 : index
      %get3A_770 = vector.load %arg14[%get3A_768, %get3A_769] : memref<12x128xf32, #tpu.memory_space<vmem>>, vector<1x128xf32>
      %add3A_771 = vector.broadcast %get3A_770 : vector<1x128xf32> to vector<2000x128xf32>
      %add3A_772 = arith.addf %dot_general3A_767, %add3A_771 : vector<2000x128xf32>
      %max3A_773 = arith.constant 0.000000e+00 : f32
      %max3A_774 = vector.broadcast %max3A_773 : f32 to vector<2000x128xf32>
      %max3A_775 = arith.maximumf %add3A_772, %max3A_774 : vector<2000x128xf32>
      %get3A_776 = arith.constant 0 : index
      %get3A_777 = arith.constant 10 : index
      %get3A_778 = vector.load %arg15[%get3A_776, %get3A_777] : memref<128x12xf32, #tpu.memory_space<vmem>>, vector<128x1xf32>
      %dot_general3A_779 = arith.constant dense<0.000000e+00> : vector<2000x1xf32>
      %dot_general3A_780 = tpu.matmul %max3A_775, %get3A_778, %dot_general3A_779 {dimension_numbers = #tpu.dot_dimension_numbers<[1], [0], [0], [1], [0, 0, 1, 1], [], []>, transpose_lhs_hint = false} : vector<2000x128xf32>, vector<128x1xf32>, vector<2000x1xf32> -> vector<2000x1xf32>
      %get3A_781 = arith.constant 0 : index
      %get3A_782 = arith.constant 10 : index
      %get3A_783 = vector.load %arg16[%get3A_781, %get3A_782] : memref<1x12xf32, #tpu.memory_space<vmem>>, vector<1x1xf32>
      %get3A_784 = vector.extract %get3A_783[0, 0] : f32 from vector<1x1xf32>
      %add3A_785 = vector.broadcast %get3A_784 : f32 to vector<2000x1xf32>
      %add3A_786 = arith.addf %dot_general3A_780, %add3A_785 : vector<2000x1xf32>
      %swap3A_787 = arith.constant 0 : index
      %swap3A_788 = arith.constant 10 : index
      %swap3A_789 = vector.load %arg17[%swap3A_787, %swap3A_788] : memref<2000x12xf32, #tpu.memory_space<vmem>>, vector<2000x1xf32>
      tpu.vector_store %arg17[%swap3A_787, %swap3A_788], %add3A_786 {strides = array<i32>} : memref<2000x12xf32, #tpu.memory_space<vmem>>, vector<2000x1xf32>,
      %get3A_790 = arith.constant 0 : index
      %get3A_791 = arith.constant 1408 : index
      %get3A_792 = vector.load %arg18[%get3A_790, %get3A_791] : memref<2024x1536xf32, #tpu.memory_space<vmem>>, vector<2000x128xf32>
      %get3A_793 = arith.constant 11 : index
      %get3A_794 = arith.constant 0 : index
      %get3A_795 = arith.constant 0 : index
      %get3A_796 = vector.load %arg9[%get3A_793, %get3A_794, %get3A_795] : memref<12x128x128xf32, #tpu.memory_space<vmem>>, vector<1x128x128xf32>
      %get3A_797 = vector.shape_cast %get3A_796 : vector<1x128x128xf32> to vector<128x128xf32>
      %dot_general3A_798 = arith.constant dense<0.000000e+00> : vector<2000x128xf32>
      %dot_general3A_799 = tpu.matmul %get3A_792, %get3A_797, %dot_general3A_798 {dimension_numbers = #tpu.dot_dimension_numbers<[1], [0], [0], [1], [0, 0, 1, 1], [], []>, transpose_lhs_hint = false} : vector<2000x128xf32>, vector<128x128xf32>, vector<2000x128xf32> -> vector<2000x128xf32>
      %get3A_800 = arith.constant 11 : index
      %get3A_801 = arith.constant 0 : index
      %get3A_802 = vector.load %arg10[%get3A_800, %get3A_801] : memref<12x128xf32, #tpu.memory_space<vmem>>, vector<1x128xf32>
      %add3A_803 = vector.broadcast %get3A_802 : vector<1x128xf32> to vector<2000x128xf32>
      %add3A_804 = arith.addf %dot_general3A_799, %add3A_803 : vector<2000x128xf32>
      %max3A_805 = arith.constant 0.000000e+00 : f32
      %max3A_806 = vector.broadcast %max3A_805 : f32 to vector<2000x128xf32>
      %max3A_807 = arith.maximumf %add3A_804, %max3A_806 : vector<2000x128xf32>
      %get3A_808 = arith.constant 11 : index
      %get3A_809 = arith.constant 0 : index
      %get3A_810 = arith.constant 0 : index
      %get3A_811 = vector.load %arg11[%get3A_808, %get3A_809, %get3A_810] : memref<12x128x128xf32, #tpu.memory_space<vmem>>, vector<1x128x128xf32>
      %get3A_812 = vector.shape_cast %get3A_811 : vector<1x128x128xf32> to vector<128x128xf32>
      %dot_general3A_813 = arith.constant dense<0.000000e+00> : vector<2000x128xf32>
      %dot_general3A_814 = tpu.matmul %max3A_807, %get3A_812, %dot_general3A_813 {dimension_numbers = #tpu.dot_dimension_numbers<[1], [0], [0], [1], [0, 0, 1, 1], [], []>, transpose_lhs_hint = false} : vector<2000x128xf32>, vector<128x128xf32>, vector<2000x128xf32> -> vector<2000x128xf32>
      %get3A_815 = arith.constant 11 : index
      %get3A_816 = arith.constant 0 : index
      %get3A_817 = vector.load %arg12[%get3A_815, %get3A_816] : memref<12x128xf32, #tpu.memory_space<vmem>>, vector<1x128xf32>
      %add3A_818 = vector.broadcast %get3A_817 : vector<1x128xf32> to vector<2000x128xf32>
      %add3A_819 = arith.addf %dot_general3A_814, %add3A_818 : vector<2000x128xf32>
      %max3A_820 = arith.constant 0.000000e+00 : f32
      %max3A_821 = vector.broadcast %max3A_820 : f32 to vector<2000x128xf32>
      %max3A_822 = arith.maximumf %add3A_819, %max3A_821 : vector<2000x128xf32>
      %get3A_823 = arith.constant 11 : index
      %get3A_824 = arith.constant 0 : index
      %get3A_825 = arith.constant 0 : index
      %get3A_826 = vector.load %arg13[%get3A_823, %get3A_824, %get3A_825] : memref<12x128x128xf32, #tpu.memory_space<vmem>>, vector<1x128x128xf32>
      %get3A_827 = vector.shape_cast %get3A_826 : vector<1x128x128xf32> to vector<128x128xf32>
      %dot_general3A_828 = arith.constant dense<0.000000e+00> : vector<2000x128xf32>
      %dot_general3A_829 = tpu.matmul %max3A_822, %get3A_827, %dot_general3A_828 {dimension_numbers = #tpu.dot_dimension_numbers<[1], [0], [0], [1], [0, 0, 1, 1], [], []>, transpose_lhs_hint = false} : vector<2000x128xf32>, vector<128x128xf32>, vector<2000x128xf32> -> vector<2000x128xf32>
      %get3A_830 = arith.constant 11 : index
      %get3A_831 = arith.constant 0 : index
      %get3A_832 = vector.load %arg14[%get3A_830, %get3A_831] : memref<12x128xf32, #tpu.memory_space<vmem>>, vector<1x128xf32>
      %add3A_833 = vector.broadcast %get3A_832 : vector<1x128xf32> to vector<2000x128xf32>
      %add3A_834 = arith.addf %dot_general3A_829, %add3A_833 : vector<2000x128xf32>
      %max3A_835 = arith.constant 0.000000e+00 : f32
      %max3A_836 = vector.broadcast %max3A_835 : f32 to vector<2000x128xf32>
      %max3A_837 = arith.maximumf %add3A_834, %max3A_836 : vector<2000x128xf32>
      %get3A_838 = arith.constant 0 : index
      %get3A_839 = arith.constant 11 : index
      %get3A_840 = vector.load %arg15[%get3A_838, %get3A_839] : memref<128x12xf32, #tpu.memory_space<vmem>>, vector<128x1xf32>
      %dot_general3A_841 = arith.constant dense<0.000000e+00> : vector<2000x1xf32>
      %dot_general3A_842 = tpu.matmul %max3A_837, %get3A_840, %dot_general3A_841 {dimension_numbers = #tpu.dot_dimension_numbers<[1], [0], [0], [1], [0, 0, 1, 1], [], []>, transpose_lhs_hint = false} : vector<2000x128xf32>, vector<128x1xf32>, vector<2000x1xf32> -> vector<2000x1xf32>
      %get3A_843 = arith.constant 0 : index
      %get3A_844 = arith.constant 11 : index
      %get3A_845 = vector.load %arg16[%get3A_843, %get3A_844] : memref<1x12xf32, #tpu.memory_space<vmem>>, vector<1x1xf32>
      %get3A_846 = vector.extract %get3A_845[0, 0] : f32 from vector<1x1xf32>
      %add3A_847 = vector.broadcast %get3A_846 : f32 to vector<2000x1xf32>
      %add3A_848 = arith.addf %dot_general3A_842, %add3A_847 : vector<2000x1xf32>
      %swap3A_849 = arith.constant 0 : index
      %swap3A_850 = arith.constant 11 : index
      %swap3A_851 = vector.load %arg17[%swap3A_849, %swap3A_850] : memref<2000x12xf32, #tpu.memory_space<vmem>>, vector<2000x1xf32>
      tpu.vector_store %arg17[%swap3A_849, %swap3A_850], %add3A_848 {strides = array<i32>} : memref<2000x12xf32, #tpu.memory_space<vmem>>, vector<2000x1xf32>,
    } else {
    }
    return
  }
  func.func @transform_0(%arg0: i32, %arg1: memref<392xi32, #tpu.memory_space<smem>>, %arg2: memref<2560xi32, #tpu.memory_space<smem>>, %arg3: memref<391xi32, #tpu.memory_space<smem>>, %arg4: memref<391xi32, #tpu.memory_space<smem>>) -> (i32, i32) {
    %c0_i32 = arith.constant 0 : i32
    %c0_i32_0 = arith.constant 0 : i32
    return %arg0, %c0_i32 : i32, i32
  }
  func.func @transform_1(%arg0: i32, %arg1: memref<392xi32, #tpu.memory_space<smem>>, %arg2: memref<2560xi32, #tpu.memory_space<smem>>, %arg3: memref<391xi32, #tpu.memory_space<smem>>, %arg4: memref<391xi32, #tpu.memory_space<smem>>) -> (i32, i32, i32) {
    %c0_i32 = arith.constant 0 : i32
    %c0_i32_0 = arith.constant 0 : i32
    %c0_i32_1 = arith.constant 0 : i32
    return %arg0, %c0_i32, %c0_i32_0 : i32, i32, i32
  }
  func.func @transform_2(%arg0: i32, %arg1: memref<392xi32, #tpu.memory_space<smem>>, %arg2: memref<2560xi32, #tpu.memory_space<smem>>, %arg3: memref<391xi32, #tpu.memory_space<smem>>, %arg4: memref<391xi32, #tpu.memory_space<smem>>) -> (i32, i32) {
    %c0_i32 = arith.constant 0 : i32
    %c0_i32_0 = arith.constant 0 : i32
    %c0_i32_1 = arith.constant 0 : i32
    return %c0_i32, %c0_i32_0 : i32, i32
  }
  func.func @transform_3(%arg0: i32, %arg1: memref<392xi32, #tpu.memory_space<smem>>, %arg2: memref<2560xi32, #tpu.memory_space<smem>>, %arg3: memref<391xi32, #tpu.memory_space<smem>>, %arg4: memref<391xi32, #tpu.memory_space<smem>>) -> (i32, i32) {
    %c0_i32 = arith.constant 0 : i32
    %c0_i32_0 = arith.constant 0 : i32
    %c0_i32_1 = arith.constant 0 : i32
    return %c0_i32, %c0_i32_0 : i32, i32
  }
  func.func @transform_4(%arg0: i32, %arg1: memref<392xi32, #tpu.memory_space<smem>>, %arg2: memref<2560xi32, #tpu.memory_space<smem>>, %arg3: memref<391xi32, #tpu.memory_space<smem>>, %arg4: memref<391xi32, #tpu.memory_space<smem>>) -> (i32, i32, i32) {
    %c0_i32 = arith.constant 0 : i32
    %c0_i32_0 = arith.constant 0 : i32
    %c0_i32_1 = arith.constant 0 : i32
    %c0_i32_2 = arith.constant 0 : i32
    return %c0_i32, %c0_i32_0, %c0_i32_1 : i32, i32, i32
  }
  func.func @transform_5(%arg0: i32, %arg1: memref<392xi32, #tpu.memory_space<smem>>, %arg2: memref<2560xi32, #tpu.memory_space<smem>>, %arg3: memref<391xi32, #tpu.memory_space<smem>>, %arg4: memref<391xi32, #tpu.memory_space<smem>>) -> (i32, i32) {
    %c0_i32 = arith.constant 0 : i32
    %c0_i32_0 = arith.constant 0 : i32
    %c0_i32_1 = arith.constant 0 : i32
    return %c0_i32, %c0_i32_0 : i32, i32
  }
  func.func @transform_6(%arg0: i32, %arg1: memref<392xi32, #tpu.memory_space<smem>>, %arg2: memref<2560xi32, #tpu.memory_space<smem>>, %arg3: memref<391xi32, #tpu.memory_space<smem>>, %arg4: memref<391xi32, #tpu.memory_space<smem>>) -> (i32, i32, i32) {
    %c0_i32 = arith.constant 0 : i32
    %c0_i32_0 = arith.constant 0 : i32
    %c0_i32_1 = arith.constant 0 : i32
    %c0_i32_2 = arith.constant 0 : i32
    return %c0_i32, %c0_i32_0, %c0_i32_1 : i32, i32, i32
  }
  func.func @transform_7(%arg0: i32, %arg1: memref<392xi32, #tpu.memory_space<smem>>, %arg2: memref<2560xi32, #tpu.memory_space<smem>>, %arg3: memref<391xi32, #tpu.memory_space<smem>>, %arg4: memref<391xi32, #tpu.memory_space<smem>>) -> (i32, i32) {
    %c0_i32 = arith.constant 0 : i32
    %c0_i32_0 = arith.constant 0 : i32
    %c0_i32_1 = arith.constant 0 : i32
    return %c0_i32, %c0_i32_0 : i32, i32
  }
  func.func @transform_8(%arg0: i32, %arg1: memref<392xi32, #tpu.memory_space<smem>>, %arg2: memref<2560xi32, #tpu.memory_space<smem>>, %arg3: memref<391xi32, #tpu.memory_space<smem>>, %arg4: memref<391xi32, #tpu.memory_space<smem>>) -> (i32, i32, i32) {
    %c0_i32 = arith.constant 0 : i32
    %c0_i32_0 = arith.constant 0 : i32
    %c0_i32_1 = arith.constant 0 : i32
    %c0_i32_2 = arith.constant 0 : i32
    return %c0_i32, %c0_i32_0, %c0_i32_1 : i32, i32, i32
  }
  func.func @transform_9(%arg0: i32, %arg1: memref<392xi32, #tpu.memory_space<smem>>, %arg2: memref<2560xi32, #tpu.memory_space<smem>>, %arg3: memref<391xi32, #tpu.memory_space<smem>>, %arg4: memref<391xi32, #tpu.memory_space<smem>>) -> (i32, i32) {
    %c0_i32 = arith.constant 0 : i32
    %c0_i32_0 = arith.constant 0 : i32
    %c0_i32_1 = arith.constant 0 : i32
    return %c0_i32, %c0_i32_0 : i32, i32
  }
  func.func @transform_10(%arg0: i32, %arg1: memref<392xi32, #tpu.memory_space<smem>>, %arg2: memref<2560xi32, #tpu.memory_space<smem>>, %arg3: memref<391xi32, #tpu.memory_space<smem>>, %arg4: memref<391xi32, #tpu.memory_space<smem>>) -> (i32, i32) {
    %c0_i32 = arith.constant 0 : i32
    %c0_i32_0 = arith.constant 0 : i32
    %c0_i32_1 = arith.constant 0 : i32
    return %c0_i32, %c0_i32_0 : i32, i32
  }
  func.func @transform_11(%arg0: i32, %arg1: memref<392xi32, #tpu.memory_space<smem>>, %arg2: memref<2560xi32, #tpu.memory_space<smem>>, %arg3: memref<391xi32, #tpu.memory_space<smem>>, %arg4: memref<391xi32, #tpu.memory_space<smem>>) -> (i32, i32) {
    %c0_i32 = arith.constant 0 : i32
    %c0_i32_0 = arith.constant 0 : i32
    %c0_i32_1 = arith.constant 0 : i32
    return %c0_i32, %c0_i32_0 : i32, i32
  }
  func.func @transform_12(%arg0: i32, %arg1: memref<392xi32, #tpu.memory_space<smem>>, %arg2: memref<2560xi32, #tpu.memory_space<smem>>, %arg3: memref<391xi32, #tpu.memory_space<smem>>, %arg4: memref<391xi32, #tpu.memory_space<smem>>) -> (i32, i32) {
    %c0_i32 = arith.constant 0 : i32
    %c0_i32_0 = arith.constant 0 : i32
    %c0_i32_1 = arith.constant 0 : i32
    return %c0_i32, %c0_i32_0 : i32, i32
  }
}

</mosaic_0001>

<sc_bundles>
// kernel: gather_offload_async_start.1
scs
__scs_entry_jumppad:
0x0: {  	(pc) =	sbr.rel $0x88, $3  }
0x1: {  	(tag) =	ssettag $0x0;
	lr =	simm.s32 $0x1  }
0x2: {  	[smem:$0x3F95] =	sst lr;
	_ =	strace $0xD0000000  }
0x3: {  	_ = 	snop  }
0x4: {  	_ = 	snop  }
0x5: {  	_ = 	snop  }
0x6: {  	_ = 	snop  }
0x7: {  	_ = 	snop  }
__scs_overlays_trampoline_lowered:
0x8: {  	[smem:$0x3FA4] =	sst s0  }
0x9: {  	[smem:$0x3FA5] =	sst s1  }
0xa: {  	[smem:$0x3FA6] =	sst s2  }
0xb: {  	[smem:$0x3FA7] =	sst s3  }
0xc: {  	[smem:$0x3FA8] =	sst s4  }
0xd: {  	[smem:$0x3FA9] =	sst s5  }
0xe: {  	[smem:$0x3FAA] =	sst s6  }
0xf: {  	[smem:$0x3FAB] =	sst s7  }
0x10: {  	[smem:$0x3FAC] =	sst s8  }
0x11: {  	[smem:$0x3FAD] =	sst s9;
	s0 =	simm.s32 @!p0 $0x0  }
0x12: {  	s1 =	sld [smem:$0x3F93];
	s0 =	simm.s32 @p0 $0x1  }
0x13: {  	[smem:$0x3FAE] =	sst s0;
	s0 =	simm.s32 @!p1 $0x0  }
0x14: {  	s2 =	sld [smem:$0x3F92];
	s0 =	simm.s32 @p1 $0x1  }
0x15: {  	[smem:$0x3FAF] =	sst s0;
	s0 =	simm.s32 @!p2 $0x0  }
0x16: {  	s3 =	sld [smem:$0x3FDB];
	s0 =	simm.s32 @p2 $0x1  }
0x17: {  	s4 =	simm.s32 $0x1BF5;
	[smem:$0x3FB1] =	sst s0  }
0x18: {  	s0 =	sld [smem:$0x3F94];
	_ =	swait.ge [sflag:s4], $0x0  }
0x19: {  	s7 =	sld [smem:$0x3F95]  }
0x1a: {  	s8 =	sadd.s32 $0xFFFFE003, lr  }
0x1b: {  	s9 =	sadd.s32 $0xFFFFFEF7, lr;
	s5 =	simm.s32 $0xFFFFFFFF;
	p2 =	slt.u32 s8, $0xFFFFF086  }
0x1c: {  	p1 =	slt.u32 s9, $0xF7A;
	s5 =	simm.s32 @!p2 $0x0  }
0x1d: {  	s5 =	simm.s32 @p1 $0x1;
	p0 =	seq.s32 s7, s2  }
0x1e: {  	s7 =	smul.u32 @!p0 $0xF7A, s2;
	p2 =	seq.s32 @!p0 s5, $0x0  }
0x1f: {  	s9 =	smul.u32 $0xF7A, s1;
	s8 =	simm.s32 @!p0 $0x1BF5;
	p2 =	por !p2, p0  }
0x20: {  	[sflag:s8] =	ssyncset.s32 @!p0 $0xFFFFF086;
	s6 =	sadd.s32 @!p0 s3, s7;
	s7 =	simm.s32 @!p0 $0x108  }
0x21: {  	s3 =	sadd.s32 s3, s9;
	s6 =	sadd.s32 @!p0 $0x88, s6;
	s7 =	simm.s32 @p2 $0x1082  }
0x22: {  	[simem:s7], [sflag:s8] =	dma.local @!p0 [hbm:s6], $0xF7A  }
0x23: {  	s9 =	sor.u32 $0xD0000000, s2;
	s6 =	simm.s32 $0x108;
	_ =	swait.ge @!p0 [sflag:s8], $0x0  }
0x24: {  	s3 =	sadd.s32 $0x88, s3;
	s6 =	simm.s32 @!p1 $0x1082;
	[sflag:s4] =	ssyncset.s32 $0xFFFFF086  }
0x25: {  	[simem:s6], [sflag:s4] =	dma.local [hbm:s3], $0xF7A  }
0x26: {  	[smem:$0x3F95] =	sst s1;
	(tag) =	ssettag s2;
	_ =	strace s9  }
0x27: {  	s1 =	sld [smem:$0x3FA5]  }
0x28: {  	s2 =	sld [smem:$0x3FA6]  }
0x29: {  	s4 =	sld [smem:$0x3FA8]  }
0x2a: {  	p0 =	seq.s32 s5, $0x0;
	s5 =	sld [smem:$0x3FA9]  }
0x2b: {  	s6 =	sld [smem:$0x3FAA]  }
0x2c: {  	s7 =	sld [smem:$0x3FAB]  }
0x2d: {  	s3 =	simm.s32 $0x108;
	s8 =	sld [smem:$0x3FAC]  }
0x2e: {  	s3 =	simm.s32 @!p0 $0x1082;
	s9 =	sld [smem:$0x3FAD]  }
0x2f: {  	lr =	sadd.s32 s0, s3;
	s0 =	sld [smem:$0x3FA4]  }
0x30: {  	s3 =	sld [smem:$0x3FA7]  }
0x31: {  	[smem:$0x3FB0] =	sst s10  }
0x32: {  	s10 =	sld [smem:$0x3FAE];
	_ =	sdelay $0x3  }
0x33: {  	p0 =	seq.s32 s10, $0x1;
	s10 =	sld [smem:$0x3FB0];
	_ =	sdelay $0x3  }
0x34: {  	[smem:$0x3FB0] =	sst s10  }
0x35: {  	s10 =	sld [smem:$0x3FAF];
	_ =	sdelay $0x3  }
0x36: {  	p1 =	seq.s32 s10, $0x1;
	s10 =	sld [smem:$0x3FB0];
	_ =	sdelay $0x3  }
0x37: {  	[smem:$0x3FB0] =	sst s10  }
0x38: {  	s10 =	sld [smem:$0x3FB1]  }
0x39: {  	_ = 	snop;
	(pc) =	sbr.ind lr, $3  }
0x3a: {  	_ = 	snop  }
0x3b: {  	_ = 	snop  }
0x3c: {  	p2 =	seq.s32 s10, $0x1;
	s10 =	sld [smem:$0x3FB0]  }
0x3d: {  	_ =	shalt  }
0x3e: {  	_ =	shalt  }
0x3f: {  	_ =	shalt  }
0x40: {  	_ =	shalt  }
0x41: {  	_ =	shalt  }
0x42: {  	_ =	shalt  }
0x43: {  	_ =	shalt  }
0x44: {  	_ =	shalt  }
0x45: {  	_ =	shalt  }
0x46: {  	_ =	shalt  }
0x47: {  	_ =	shalt  }
0x48: {  	_ =	shalt  }
0x49: {  	_ =	shalt  }
0x4a: {  	_ =	shalt  }
0x4b: {  	_ =	shalt  }
0x4c: {  	_ =	shalt  }
0x4d: {  	_ =	shalt  }
0x4e: {  	_ =	shalt  }
0x4f: {  	_ =	shalt  }
0x50: {  	_ =	shalt  }
0x51: {  	_ =	shalt  }
0x52: {  	_ =	shalt  }
0x53: {  	_ =	shalt  }
0x54: {  	_ =	shalt  }
0x55: {  	_ =	shalt  }
0x56: {  	_ =	shalt  }
0x57: {  	_ =	shalt  }
0x58: {  	_ =	shalt  }
0x59: {  	_ =	shalt  }
0x5a: {  	_ =	shalt  }
0x5b: {  	_ =	shalt  }
0x5c: {  	_ =	shalt  }
0x5d: {  	_ =	shalt  }
0x5e: {  	_ =	shalt  }
0x5f: {  	_ =	shalt  }
0x60: {  	_ =	shalt  }
0x61: {  	_ =	shalt  }
0x62: {  	_ =	shalt  }
0x63: {  	_ =	shalt  }
0x64: {  	_ =	shalt  }
0x65: {  	_ =	shalt  }
0x66: {  	_ =	shalt  }
0x67: {  	_ =	shalt  }
0x68: {  	_ =	shalt  }
0x69: {  	_ =	shalt  }
0x6a: {  	_ =	shalt  }
0x6b: {  	_ =	shalt  }
0x6c: {  	_ =	shalt  }
0x6d: {  	_ =	shalt  }
0x6e: {  	_ =	shalt  }
0x6f: {  	_ =	shalt  }
0x70: {  	_ =	shalt  }
0x71: {  	_ =	shalt  }
0x72: {  	_ =	shalt  }
0x73: {  	_ =	shalt  }
0x74: {  	_ =	shalt  }
0x75: {  	_ =	shalt  }
0x76: {  	_ =	shalt  }
0x77: {  	_ =	shalt  }
0x78: {  	_ =	shalt  }
0x79: {  	_ =	shalt  }
0x7a: {  	_ =	shalt  }
0x7b: {  	_ =	shalt  }
0x7c: {  	_ =	shalt  }
0x7d: {  	_ =	shalt  }
0x7e: {  	_ =	shalt  }
0x7f: {  	_ =	shalt  }
0x80: {  	_ =	shalt  }
0x81: {  	_ =	shalt  }
0x82: {  	_ =	shalt  }
0x83: {  	_ =	shalt  }
0x84: {  	_ =	shalt  }
0x85: {  	_ =	shalt  }
0x86: {  	_ =	shalt  }
0x87: {  	_ =	shalt  }
.Lfunc_end0:
.L_simem_size_0:
called_computation.1_lowered:
.L_overlay_start_0:
0x88: {  	s2 =	sld [smem:$0x3FD9]  }
0x89: {  	s3 =	sld [smem:$0x3FFE];
	_ =	sdelay $0x1  }
0x8a: {  	s1 =	srdreg.scid  }
0x8b: {  	s0 =	sand.u32 $0x1, s1  }
0x8c: {  	s17 =	sshll.u32 s0, $0xA;
	s2 =	sadd.s32 s3, s2  }
0x8d: {  	s2 =	sadd.s32 s2, s17  }
0x8e: {  	[smem:$0x3FBC] =	sst s2  }
0x8f: {  	_ = 	snop  }
0x90: {  	s2 =	sld [smem:$0x3FC8]  }
0x91: {  	s18 =	sld [smem:$0x3FD0];
	(tm) =	ssettm $0x1  }
0x92: {  	s4 =	sld [smem:$0x3FFB];
	_ =	sdelay $0x3  }
0x93: {  	_ =	strace s4  }
0x94: {  	s4 =	sld [smem:$0x3FFC];
	_ =	sdelay $0x3  }
0x95: {  	_ =	strace s4  }
0x96: {  	s4 =	sld [smem:$0x3FFD];
	_ =	sdelay $0x3  }
0x97: {  	_ =	strace s4  }
0x98: {  	_ =	strace $0x8FFFFFFF  }
0x99: {  	s19 =	sld [smem:$0x3FDB];
	_ =	sdelay $0x1  }
0x9a: {  	s5 =	simm.s32 $_scs_section_size  }
0x9b: {  	s6 =	simm.s32 $_size__tile_overlayer_lowered;
	s7 =	simm.s32 $_tile_overlayer_lowered  }
0x9c: {  	s22 =	simm.s32 $0x1BFF;
	s21 =	sshll.u32 s7, $0x1;
	s4 =	sadd.s32 s5, s19  }
0x9d: {  	s8 =	simm.s32 $0x0;
	s20 =	sshll.u32 s6, $0x1;
	s6 =	sadd.s32 s21, s4  }
0x9e: {  	[timem:s8], [sflag:s22] =	dma.local [hbm:s6], s20  }
0x9f: {  	_ =	swait.ge [sflag:s22], s20  }
0xa0: {  	s5 =	ssub.s32 $0x0, s20;
	[sflag:s22] =	ssyncset.done $0x0  }
0xa1: {  	[sflag:s22] =	ssyncadd.s32 s5;
	_ =	sdelay $0x1  }
0xa2: {  	s23 =	simm.s32 $0x1B8B  }
0xa3: {  	_ =	swait.ge [sflag:s23], $0x1  }
0xa4: {  	[sflag:s23] =	ssyncset.done $0x0  }
0xa5: {  	s25 =	simm.s32 $0x1B8E;
	s24 =	sld [smem:$0x3FFE];
	[sflag:s23] =	ssyncadd.s32 $0xFFFFFFFF  }
0xa6: {  	s26 =	simm.s32 $execute0_lowered;
	[smem:$0x3FD2] =	sst s25  }
0xa7: {  	s6 =	sshll.u32 s26, $0x1;
	_ =	strace $0x80000046;
	[dreg:$0x1] =	wrdreg $0xFFFFFFFF  }
0xa8: {  	s28 =	simm.s32 $_size_execute0_lowered;
	s4 =	sadd.s32 s4, s6;
	[dreg:$0x0] =	wrdreg $0x0  }
0xa9: {  	s6 =	sshll.u32 s28, $0x1;
	[dreg:$0x2] =	wrdreg s4  }
0xaa: {  	[dreg:$0x3] =	wrdreg s6  }
0xab: {  	[dreg:$0x4] =	wrdreg $0xC0  }
0xac: {  	_ =	task [dreg:s8], $0x5FFFF  }
0xad: {  	[dreg:$0x1] =	wrdreg $0xFFFFFFFF  }
0xae: {  	[dreg:$0x0] =	wrdreg $0x60  }
0xaf: {  	[dreg:$0x2] =	wrdreg s2  }
0xb0: {  	[dreg:$0x3] =	wrdreg s18  }
0xb1: {  	[dreg:$0x4] =	wrdreg s24  }
0xb2: {  	[dreg:$0x5] =	wrdreg $0x9  }
0xb3: {  	_ =	task.clear_ibuf [dreg:s8], $0x6FFFF;
	_ =	strace $0x90000046  }
0xb4: {  	s29 =	simm.s32 $0x9;
	_ =	strace $0x80000048  }
0xb5: {  	_ =	swait.ge [sflag:s29], $0x1  }
0xb6: {  	[sflag:s29] =	ssyncadd.s32 $0xFFFFFFFF  }
0xb7: {  	_ =	strace $0x90000048  }
0xb8: {  	_ =	sfence  }
0xb9: {  	s30 =	sld [smem:$0x0];
	_ =	sdelay $0x2  }
0xba: {  	s31 =	sshll.u32 s1, $0xD;
	s1 =	sshrl.u32 s1, $0x2  }
0xbb: {  	s3 =	sand.u32 $0x4000, s31;
	s1 =	sadd.s32 s1, s30  }
0xbc: {  	s0 =	sor.u32 s3, s0;
	s1 =	sshll.u32 s1, $0x11  }
0xbd: {  	s0 =	sor.u32 s1, s0  }
0xbe: {  	s0 =	sadd.s32 $0x8F2B, s0  }
0xbf: {  	[sflag:s0] =	ssyncadd.remote.s32 $0x1  }
0xc0: {  	_ =	sfence.sel $0xFFFF  }
0xc1: {  	[dreg:$0x0] =	wrdreg $0xFFFFFFFF;
	(pc) =	sbr.abs _section_cstart, $3  }
0xc2: {  	[dreg:$0x1] =	wrdreg $0xFFFFFFFF  }
0xc3: {  	_ =	task.clear_ibuf [dreg:s8], $0x2FFFF;
	_ =	strace $0x9FFFFFFF  }
0xc4: {  	(tm) =	ssettm $0x7FFFFFFF  }
0xc5: {  	_ =	shalt  }
tec
execute0_lowered:
.L_overlay_start_1:
0x0: {  	(tag) =	ssettag $0x1  }
0x1: {  	s1 =	srdreg.scid;
	s2 =	rddreg [dreg:$0x0]  }
0x2: {  	s0 =	stileid.u32;
	s3 =	rddreg [dreg:$0x1]  }
0x3: {  	s4 =	rddreg [dreg:$0x2];
	s6 =	simm.s32 $0x1;
	s1 =	sshll.u32 s1, $0x6  }
0x4: {  	s9 =	simm.s32 $0x1;
	s5 =	sshll.u32 s0, $0x7;
	s1 =	sand.u32 $0x40, s1  }
0x5: {  	s10 =	simm.s32 $0x3;
	s13 =	simm.s32 $0x0;
	s5 =	sor.u32 s5, s1  }
0x6: {  	s12 =	simm.s32 $0x0;
	s1 =	rddreg [dreg:$0x3];
	s8 =	ssub.s32 $0xA00, s5  }
.Ltmp0:
0x7: {  	_ =	strace $0x80000047;
	s7 =	sand.u32 $0x7C0, s8;
	(pc) =	sbr.rel .LBB2_1-.Ltmp0, $4  }
0x8: {  	[sflag:s6] =	ssyncpa.u1 $0x0;
	s11 =	smov.u32 s5;
	p0 =	sne.s32 s7, $0x0  }
0x9: {  	s8 =	sshrl.u32 s8, $0xB;
	s7 =	simm.s32 $0x2;
	s9 =	simm.s32 @!p0 $0x0  }
0xa: {  	[sflag:s7] =	ssyncpa.u1 $0x0;
	p0 =	por $0x0, $0x0;
	s8 =	sadd.s32 s9, s8  }
0xb: {  	vm0 =	vmmov $0xffff;
	[sflag:s10] =	ssyncpa.u1 $0x0;
	s10 =	simm.s32 $0x0;
	s9 =	sadd.s32 $0x1, s8  }
.LBB2_4:
0xc: {  	v2 =	vnsel vm1, $0x0, v2  }
0xd: {  	vm1 =	vgt.s32 v0, $0x0;
	v2 =	vmin.u32 v2, $0x1869F  }
0xe: {  	v0 =	vnsel vm1, $0x0, v0  }
0xf: {  	v0 =	vmin.u32 v0, $0x1869F  }
0x10: {  	[tilespmem:s15], [sflag:$0x1] =	stream.indirect_vreg.gather [hbm4b:s2+s10], $0x1, v1, vm0, $0x4038;
	[tilespmem:$0x100] =	vst v63  }
0x11: {  	(ifvalue) =	ssetifvalue $0x7FFFFFFF  }
0x12: {  	[tilespmem:s16], [sflag:$0x1] =	stream.indirect_vreg.gather [hbm4b:s2+s10], $0x1, v2, vm0, $0x4038;
	[tilespmem:$0x100] =	vst v63  }
0x13: {  	s29 =	sadd.s32 $0x10, s16;
	(ifvalue) =	ssetifvalue $0x7FFFFFFF  }
0x14: {  	[tilespmem:s29], [sflag:$0x1] =	stream.indirect_vreg.gather [hbm4b:s2+s10], $0x1, v0, vm0, $0x4038;
	[tilespmem:$0x100] =	vst v63  }
0x15: {  	_ =	swait.ge [sflag:s6], $0x40  }
0x16: {  	s30 =	sshrl.u32 s13, $0x3;
	[sflag:s6] =	ssyncset.done $0x0  }
0x17: {  	s31 =	sand.u32 $0x7, s13;
	s15 =	sadd.s32 s4, s30;
	[sflag:s6] =	ssyncadd.s32 $0xFFFFFFC0  }
0x18: {  	[hbm4b:s15+s31] =	stream.linear.scatter [tilespmem:s14], [sflag:$0x3], $0x40, $0x38;
	[tilespmem:$0x100] =	vst v63  }
.LBB2_5:
0x19: {  	s15 =	sadd.s32 $0x800, s11  }
0x1a: {  	p2 =	sgt.s32 s15, $0x9FF  }
0x1b: {  	s15 =	smov.u32 @p2 s5;
	p2 =	sne.s32 s12, s9  }
.Ltmp1:
0x1c: {  	p1 =	slt.u32 s12, $0x2;
	(pc) =	sbr.rel @!p2 .LBB2_6-.Ltmp1, $4  }
0x1d: {  	s14 =	simm.s32 @!p1 $0x3  }
0x1e: {  	s16 =	sadd.s32 $0x1, s12;
	_ =	swait.ge @!p1 [sflag:s14], $0x40  }
0x1f: {  	s13 =	smov.u32 s11;
	p0 =	por !p0, !p0;
	[sflag:s14] =	ssyncset.done @!p1 $0x0  }
0x20: {  	s12 =	smov.u32 s16;
	s11 =	smov.u32 s15;
	[sflag:s14] =	ssyncadd.s32 @!p1 $0xFFFFFFC0  }
.LBB2_1:
0x21: {  	p1 =	sge.u32 s12, s8  }
0x22: {  	s14 =	sxor.u32 @!p1 $0xFFFFFFFF, s12  }
0x23: {  	s31 =	sadd.s32 $0xFFFFFFFF, s12;
	s15 =	sshrl.u32 @!p1 s11, $0x3;
	s14 =	sshll.u32 @!p1 s14, $0x6  }
0x24: {  	s16 =	sand.u32 @!p1 $0x7, s11;
	s15 =	sadd.s32 @!p1 s3, s15;
	s14 =	sand.u32 @!p1 $0x40, s14  }
0x25: {  	[tilespmem:s14], [sflag:$0x2] =	stream.linear.gather @!p1 [hbm4b:s15+s16], $0x40, $0x38;
	[tilespmem:$0x100] =	vst v63  }
0x26: {  	p1 =	sge.u32 s31, s8  }
.Ltmp2:
0x27: {  	_ = 	snop;
	(pc) =	sbr.rel @p1 .LBB2_5-.Ltmp2, $1  }
0x28: {  	_ =	sdelay $0x3  }
0x29: {  	s14 =	simm.s32 $0x1  }
0x2a: {  	_ =	swait.ge [sflag:s7], $0x40;
	s14 =	simm.s32 @!p0 $0x0  }
0x2b: {  	[sflag:s7] =	ssyncset.done $0x0;
	s14 =	sshll.u32 s14, $0x6  }
0x2c: {  	[sflag:s7] =	ssyncadd.s32 $0xFFFFFFC0;
	(ifvalue) =	ssetifvalue $0x7FFFFFFF;
	v0 =	vld.msk [tilespmem:s14+$0x0 ss:$0x1], $0xffff;
	_ =	sdelay $0x4  }
0x2d: {  	s15 =	sadd.s32 $0x10, s14;
	vm1 =	vgt.s32 v0, $0x0  }
0x2e: {  	v2 =	vld.msk [tilespmem:s15+$0x0 ss:$0x1], $0xffff;
	v1 =	vnsel vm1, $0x0, v0  }
0x2f: {  	v1 =	vmin.u32 v1, $0x1869F;
	_ =	sdelay $0x1  }
0x30: {  	s16 =	sshll.u32 s12, $0x6;
	s18 =	simm.s32 $0x20  }
0x31: {  	s16 =	sand.u32 $0x40, s16;
	s17 =	sadd.s32 $0x10, s15;
	s15 =	sor.u32 $0x80, s14  }
0x32: {  	s14 =	sor.u32 $0x80, s16;
	s16 =	sadd.s32 $0x10, s15;
	v0 =	vld.msk [tilespmem:s17+$0x0 ss:$0x1], $0xffff;
	vm1 =	vgt.s32 v2, $0x0;
	(ifvalue) =	ssetifvalue $0x7FFFFFFF  }
.LBB2_3:
0x33: {  	[tilespmem:s15], [sflag:$0x1] =	stream.indirect_vreg.gather [hbm4b:s2+s10], $0x1, v1, vm0, $0x4038;
	[tilespmem:$0x100] =	vst v63  }
0x34: {  	s18 =	sadd.s32 $0x10, s18  }
0x35: {  	v2 =	vnsel vm1, $0x0, v2;
	p1 =	slt.u32 s18, $0x30  }
.Ltmp3:
0x36: {  	s15 =	smov.u32 s16;
	v1 =	vmin.u32 v2, $0x1869F;
	(pc) =	sbr.rel @p1 .LBB2_3-.Ltmp3, $3  }
0x37: {  	_ =	sdelay $0x1  }
0x38: {  	s17 =	sadd.s32 $0x10, s17  }
0x39: {  	vm1 =	vgt.s32 v0, $0x0;
	s16 =	sadd.s32 $0x10, s16;
	v2 =	vmov v0;
	(ifvalue) =	ssetifvalue $0x7FFFFFFF;
	v0 =	vld.msk [tilespmem:s17+$0x0 ss:$0x1], $0xffff  }
.Ltmp4:
0x3a: {  	_ = 	snop;
	(pc) =	sbr.rel .LBB2_4-.Ltmp4, $1  }
0x3b: {  	_ =	sdelay $0x3  }
.LBB2_6:
0x3c: {  	_ =	sfence.sel $0x180000  }
0x3d: {  	s2 =	simm.s32 $0x2;
	[bflag:$0x0] =	sbarrier.arrive $0xFFFF  }
0x3e: {  	s30 =	simm.s32 $0x3;
	[sflag:s2] =	ssyncpa.u1 $0x1  }
0x3f: {  	s31 =	simm.s32 $0x1;
	[sflag:s30] =	ssyncpa.u1 $0x1  }
0x40: {  	[sflag:s31] =	ssyncpa.u1 $0x1  }
0x41: {  	p0 =	sne.s32 s0, $0x0;
	_ =	strace $0x90000047  }
0x42: {  	s0 =	sadd.s32 @!p0 $0x100000, s1;
	[bflag:$0x2] =	sbarrier.arrive $0xFFFF  }
0x43: {  	[sflag:s0] =	ssyncadd.tile.s32 @!p0 $0x1;
	_ =	shalt  }
.Lfunc_end2:
_tile_overlayer_lowered:
.L_overlay_start_2:
0x44: {  	(tag) =	ssettag $0x2  }
0x45: {  	s0 =	rddreg [dreg:$0x0];
	s2 =	stileid.u32  }
0x46: {  	s1 =	rddreg [dreg:$0x1];
	p0 =	sne.s32 s2, $0x0  }
0x47: {  	s3 =	rddreg [dreg:$0x2];
	[bflag:$0x3] =	sbarrier.arrive $0xFFFF;
	s2 =	simm.s32 @!p0 $0x1C01  }
0x48: {  	[timem:s3], [sflag:s2] =	dma.local @!p0 [hbm:s0], s1  }
0x49: {  	s0 =	simm.s32 @!p0 $0x1  }
0x4a: {  	_ =	swait.ge @!p0 [sflag:s0], s1  }
0x4b: {  	s1 =	ssub.s32 @!p0 $0x0, s1;
	[sflag:s0] =	ssyncset.done @!p0 $0x0  }
0x4c: {  	[sflag:s0] =	ssyncadd.s32 @!p0 s1  }
0x4d: {  	[bflag:$0x3] =	sbarrier.arrive $0xFFFF  }
0x4e: {  	_ =	shalt  }

// kernel: gather_offload_async_start
scs
__scs_entry_jumppad:
0x0: {  	(pc) =	sbr.rel $0x88, $3  }
0x1: {  	(tag) =	ssettag $0x0;
	lr =	simm.s32 $0x1  }
0x2: {  	[smem:$0x3F95] =	sst lr;
	_ =	strace $0xD0000000  }
0x3: {  	_ = 	snop  }
0x4: {  	_ = 	snop  }
0x5: {  	_ = 	snop  }
0x6: {  	_ = 	snop  }
0x7: {  	_ = 	snop  }
__scs_overlays_trampoline_lowered:
0x8: {  	[smem:$0x3FA4] =	sst s0  }
0x9: {  	[smem:$0x3FA5] =	sst s1  }
0xa: {  	[smem:$0x3FA6] =	sst s2  }
0xb: {  	[smem:$0x3FA7] =	sst s3  }
0xc: {  	[smem:$0x3FA8] =	sst s4  }
0xd: {  	[smem:$0x3FA9] =	sst s5  }
0xe: {  	[smem:$0x3FAA] =	sst s6  }
0xf: {  	[smem:$0x3FAB] =	sst s7  }
0x10: {  	[smem:$0x3FAC] =	sst s8  }
0x11: {  	[smem:$0x3FAD] =	sst s9;
	s0 =	simm.s32 @!p0 $0x0  }
0x12: {  	s1 =	sld [smem:$0x3F93];
	s0 =	simm.s32 @p0 $0x1  }
0x13: {  	[smem:$0x3FAE] =	sst s0;
	s0 =	simm.s32 @!p1 $0x0  }
0x14: {  	s2 =	sld [smem:$0x3F92];
	s0 =	simm.s32 @p1 $0x1  }
0x15: {  	[smem:$0x3FAF] =	sst s0;
	s0 =	simm.s32 @!p2 $0x0  }
0x16: {  	s3 =	sld [smem:$0x3FDB];
	s0 =	simm.s32 @p2 $0x1  }
0x17: {  	s4 =	simm.s32 $0x1BF5;
	[smem:$0x3FB1] =	sst s0  }
0x18: {  	s0 =	sld [smem:$0x3F94];
	_ =	swait.ge [sflag:s4], $0x0  }
0x19: {  	s7 =	sld [smem:$0x3F95]  }
0x1a: {  	s8 =	sadd.s32 $0xFFFFE003, lr  }
0x1b: {  	s9 =	sadd.s32 $0xFFFFFEF7, lr;
	s5 =	simm.s32 $0xFFFFFFFF;
	p2 =	slt.u32 s8, $0xFFFFF086  }
0x1c: {  	p1 =	slt.u32 s9, $0xF7A;
	s5 =	simm.s32 @!p2 $0x0  }
0x1d: {  	s5 =	simm.s32 @p1 $0x1;
	p0 =	seq.s32 s7, s2  }
0x1e: {  	s7 =	smul.u32 @!p0 $0xF7A, s2;
	p2 =	seq.s32 @!p0 s5, $0x0  }
0x1f: {  	s9 =	smul.u32 $0xF7A, s1;
	s8 =	simm.s32 @!p0 $0x1BF5;
	p2 =	por !p2, p0  }
0x20: {  	[sflag:s8] =	ssyncset.s32 @!p0 $0xFFFFF086;
	s6 =	sadd.s32 @!p0 s3, s7;
	s7 =	simm.s32 @!p0 $0x108  }
0x21: {  	s3 =	sadd.s32 s3, s9;
	s6 =	sadd.s32 @!p0 $0x88, s6;
	s7 =	simm.s32 @p2 $0x1082  }
0x22: {  	[simem:s7], [sflag:s8] =	dma.local @!p0 [hbm:s6], $0xF7A  }
0x23: {  	s9 =	sor.u32 $0xD0000000, s2;
	s6 =	simm.s32 $0x108;
	_ =	swait.ge @!p0 [sflag:s8], $0x0  }
0x24: {  	s3 =	sadd.s32 $0x88, s3;
	s6 =	simm.s32 @!p1 $0x1082;
	[sflag:s4] =	ssyncset.s32 $0xFFFFF086  }
0x25: {  	[simem:s6], [sflag:s4] =	dma.local [hbm:s3], $0xF7A  }
0x26: {  	[smem:$0x3F95] =	sst s1;
	(tag) =	ssettag s2;
	_ =	strace s9  }
0x27: {  	s1 =	sld [smem:$0x3FA5]  }
0x28: {  	s2 =	sld [smem:$0x3FA6]  }
0x29: {  	s4 =	sld [smem:$0x3FA8]  }
0x2a: {  	p0 =	seq.s32 s5, $0x0;
	s5 =	sld [smem:$0x3FA9]  }
0x2b: {  	s6 =	sld [smem:$0x3FAA]  }
0x2c: {  	s7 =	sld [smem:$0x3FAB]  }
0x2d: {  	s3 =	simm.s32 $0x108;
	s8 =	sld [smem:$0x3FAC]  }
0x2e: {  	s3 =	simm.s32 @!p0 $0x1082;
	s9 =	sld [smem:$0x3FAD]  }
0x2f: {  	lr =	sadd.s32 s0, s3;
	s0 =	sld [smem:$0x3FA4]  }
0x30: {  	s3 =	sld [smem:$0x3FA7]  }
0x31: {  	[smem:$0x3FB0] =	sst s10  }
0x32: {  	s10 =	sld [smem:$0x3FAE];
	_ =	sdelay $0x3  }
0x33: {  	p0 =	seq.s32 s10, $0x1;
	s10 =	sld [smem:$0x3FB0];
	_ =	sdelay $0x3  }
0x34: {  	[smem:$0x3FB0] =	sst s10  }
0x35: {  	s10 =	sld [smem:$0x3FAF];
	_ =	sdelay $0x3  }
0x36: {  	p1 =	seq.s32 s10, $0x1;
	s10 =	sld [smem:$0x3FB0];
	_ =	sdelay $0x3  }
0x37: {  	[smem:$0x3FB0] =	sst s10  }
0x38: {  	s10 =	sld [smem:$0x3FB1]  }
0x39: {  	_ = 	snop;
	(pc) =	sbr.ind lr, $3  }
0x3a: {  	_ = 	snop  }
0x3b: {  	_ = 	snop  }
0x3c: {  	p2 =	seq.s32 s10, $0x1;
	s10 =	sld [smem:$0x3FB0]  }
0x3d: {  	_ =	shalt  }
0x3e: {  	_ =	shalt  }
0x3f: {  	_ =	shalt  }
0x40: {  	_ =	shalt  }
0x41: {  	_ =	shalt  }
0x42: {  	_ =	shalt  }
0x43: {  	_ =	shalt  }
0x44: {  	_ =	shalt  }
0x45: {  	_ =	shalt  }
0x46: {  	_ =	shalt  }
0x47: {  	_ =	shalt  }
0x48: {  	_ =	shalt  }
0x49: {  	_ =	shalt  }
0x4a: {  	_ =	shalt  }
0x4b: {  	_ =	shalt  }
0x4c: {  	_ =	shalt  }
0x4d: {  	_ =	shalt  }
0x4e: {  	_ =	shalt  }
0x4f: {  	_ =	shalt  }
0x50: {  	_ =	shalt  }
0x51: {  	_ =	shalt  }
0x52: {  	_ =	shalt  }
0x53: {  	_ =	shalt  }
0x54: {  	_ =	shalt  }
0x55: {  	_ =	shalt  }
0x56: {  	_ =	shalt  }
0x57: {  	_ =	shalt  }
0x58: {  	_ =	shalt  }
0x59: {  	_ =	shalt  }
0x5a: {  	_ =	shalt  }
0x5b: {  	_ =	shalt  }
0x5c: {  	_ =	shalt  }
0x5d: {  	_ =	shalt  }
0x5e: {  	_ =	shalt  }
0x5f: {  	_ =	shalt  }
0x60: {  	_ =	shalt  }
0x61: {  	_ =	shalt  }
0x62: {  	_ =	shalt  }
0x63: {  	_ =	shalt  }
0x64: {  	_ =	shalt  }
0x65: {  	_ =	shalt  }
0x66: {  	_ =	shalt  }
0x67: {  	_ =	shalt  }
0x68: {  	_ =	shalt  }
0x69: {  	_ =	shalt  }
0x6a: {  	_ =	shalt  }
0x6b: {  	_ =	shalt  }
0x6c: {  	_ =	shalt  }
0x6d: {  	_ =	shalt  }
0x6e: {  	_ =	shalt  }
0x6f: {  	_ =	shalt  }
0x70: {  	_ =	shalt  }
0x71: {  	_ =	shalt  }
0x72: {  	_ =	shalt  }
0x73: {  	_ =	shalt  }
0x74: {  	_ =	shalt  }
0x75: {  	_ =	shalt  }
0x76: {  	_ =	shalt  }
0x77: {  	_ =	shalt  }
0x78: {  	_ =	shalt  }
0x79: {  	_ =	shalt  }
0x7a: {  	_ =	shalt  }
0x7b: {  	_ =	shalt  }
0x7c: {  	_ =	shalt  }
0x7d: {  	_ =	shalt  }
0x7e: {  	_ =	shalt  }
0x7f: {  	_ =	shalt  }
0x80: {  	_ =	shalt  }
0x81: {  	_ =	shalt  }
0x82: {  	_ =	shalt  }
0x83: {  	_ =	shalt  }
0x84: {  	_ =	shalt  }
0x85: {  	_ =	shalt  }
0x86: {  	_ =	shalt  }
0x87: {  	_ =	shalt  }
.Lfunc_end0:
.L_simem_size_0:
called_computation_lowered:
.L_overlay_start_0:
0x88: {  	s2 =	sld [smem:$0x3FD9]  }
0x89: {  	s3 =	sld [smem:$0x3FFE];
	_ =	sdelay $0x1  }
0x8a: {  	s1 =	srdreg.scid  }
0x8b: {  	s0 =	sand.u32 $0x1, s1  }
0x8c: {  	s17 =	sshll.u32 s0, $0xA;
	s2 =	sadd.s32 s3, s2  }
0x8d: {  	s2 =	sadd.s32 s2, s17  }
0x8e: {  	[smem:$0x3FBC] =	sst s2  }
0x8f: {  	_ = 	snop  }
0x90: {  	s2 =	sld [smem:$0x3FD0];
	(tm) =	ssettm $0x1  }
0x91: {  	s18 =	sld [smem:$0x3FFB];
	_ =	sdelay $0x3  }
0x92: {  	_ =	strace s18  }
0x93: {  	s3 =	sld [smem:$0x3FFC];
	_ =	sdelay $0x3  }
0x94: {  	_ =	strace s3  }
0x95: {  	s3 =	sld [smem:$0x3FFD];
	_ =	sdelay $0x3  }
0x96: {  	_ =	strace s3  }
0x97: {  	_ =	strace $0x8FFFFFFF  }
0x98: {  	s19 =	sld [smem:$0x3FDB];
	_ =	sdelay $0x1  }
0x99: {  	s4 =	simm.s32 $_scs_section_size  }
0x9a: {  	s5 =	simm.s32 $_size__tile_overlayer_lowered;
	s6 =	simm.s32 $_tile_overlayer_lowered  }
0x9b: {  	s22 =	simm.s32 $0x1BFF;
	s21 =	sshll.u32 s6, $0x1;
	s3 =	sadd.s32 s4, s19  }
0x9c: {  	s7 =	simm.s32 $0x0;
	s20 =	sshll.u32 s5, $0x1;
	s5 =	sadd.s32 s21, s3  }
0x9d: {  	[timem:s7], [sflag:s22] =	dma.local [hbm:s5], s20  }
0x9e: {  	_ =	swait.ge [sflag:s22], s20  }
0x9f: {  	s4 =	ssub.s32 $0x0, s20;
	[sflag:s22] =	ssyncset.done $0x0  }
0xa0: {  	[sflag:s22] =	ssyncadd.s32 s4;
	_ =	sdelay $0x1  }
0xa1: {  	s23 =	simm.s32 $0x1B8B  }
0xa2: {  	_ =	swait.ge [sflag:s23], $0x1  }
0xa3: {  	[sflag:s23] =	ssyncset.done $0x0  }
0xa4: {  	s25 =	simm.s32 $0x1B8E;
	s24 =	sld [smem:$0x3FFE];
	[sflag:s23] =	ssyncadd.s32 $0xFFFFFFFF  }
0xa5: {  	s26 =	simm.s32 $execute0_lowered;
	[smem:$0x3FD2] =	sst s25  }
0xa6: {  	s5 =	sshll.u32 s26, $0x1;
	_ =	strace $0x80000049;
	[dreg:$0x1] =	wrdreg $0xFFFFFFFF  }
0xa7: {  	s28 =	simm.s32 $_size_execute0_lowered;
	s3 =	sadd.s32 s3, s5;
	[dreg:$0x0] =	wrdreg $0x0  }
0xa8: {  	s5 =	sshll.u32 s28, $0x1;
	[dreg:$0x2] =	wrdreg s3  }
0xa9: {  	[dreg:$0x3] =	wrdreg s5  }
0xaa: {  	[dreg:$0x4] =	wrdreg $0xC0  }
0xab: {  	_ =	task [dreg:s7], $0x5FFFF  }
0xac: {  	[dreg:$0x1] =	wrdreg $0xFFFFFFFF  }
0xad: {  	[dreg:$0x0] =	wrdreg $0x60  }
0xae: {  	[dreg:$0x2] =	wrdreg s24  }
0xaf: {  	[dreg:$0x3] =	wrdreg s2  }
0xb0: {  	[dreg:$0x4] =	wrdreg $0x9  }
0xb1: {  	_ =	task.clear_ibuf [dreg:s7], $0x5FFFF;
	_ =	strace $0x90000049  }
0xb2: {  	s29 =	simm.s32 $0x9;
	_ =	strace $0x8000004B  }
0xb3: {  	_ =	swait.ge [sflag:s29], $0x1  }
0xb4: {  	[sflag:s29] =	ssyncadd.s32 $0xFFFFFFFF  }
0xb5: {  	_ =	strace $0x9000004B  }
0xb6: {  	_ =	sfence  }
0xb7: {  	s30 =	sld [smem:$0x0];
	_ =	sdelay $0x2  }
0xb8: {  	s31 =	sshll.u32 s1, $0xD;
	s1 =	sshrl.u32 s1, $0x2  }
0xb9: {  	s3 =	sand.u32 $0x4000, s31;
	s1 =	sadd.s32 s1, s30  }
0xba: {  	s0 =	sor.u32 s3, s0;
	s1 =	sshll.u32 s1, $0x11  }
0xbb: {  	s0 =	sor.u32 s1, s0  }
0xbc: {  	s0 =	sadd.s32 $0x8F2B, s0  }
0xbd: {  	[sflag:s0] =	ssyncadd.remote.s32 $0x1  }
0xbe: {  	_ =	sfence.sel $0xFFFF  }
0xbf: {  	[dreg:$0x0] =	wrdreg $0xFFFFFFFF;
	(pc) =	sbr.abs _section_cstart, $3  }
0xc0: {  	[dreg:$0x1] =	wrdreg $0xFFFFFFFF  }
0xc1: {  	_ =	task.clear_ibuf [dreg:s7], $0x2FFFF;
	_ =	strace $0x9FFFFFFF  }
0xc2: {  	(tm) =	ssettm $0x7FFFFFFF  }
0xc3: {  	_ =	shalt  }
tec
execute0_lowered:
.L_overlay_start_1:
0x0: {  	(tag) =	ssettag $0x1  }
0x1: {  	s1 =	srdreg.scid;
	s5 =	rddreg [dreg:$0x0]  }
0x2: {  	s0 =	stileid.u32;
	s2 =	rddreg [dreg:$0x1];
	s6 =	simm.s32 $0x1  }
0x3: {  	s9 =	simm.s32 $0x1;
	s10 =	simm.s32 $0x3;
	s1 =	sshll.u32 s1, $0x6  }
0x4: {  	s13 =	simm.s32 $0x0;
	s3 =	sshll.u32 s0, $0x7;
	s4 =	sand.u32 $0x40, s1  }
0x5: {  	s12 =	simm.s32 $0x0;
	s1 =	rddreg [dreg:$0x2];
	s3 =	sor.u32 s3, s4  }
0x6: {  	_ =	strace $0x8000004A;
	s4 =	sadd.s32 $0x400, s5;
	s8 =	ssub.s32 $0xA00, s3  }
.Ltmp0:
0x7: {  	s5 =	sadd.s32 $0x3600, s5;
	s7 =	sand.u32 $0x7C0, s8;
	(pc) =	sbr.rel .LBB2_1-.Ltmp0, $4  }
0x8: {  	[sflag:s6] =	ssyncpa.u1 $0x0;
	s11 =	smov.u32 s3;
	p0 =	sne.s32 s7, $0x0  }
0x9: {  	s8 =	sshrl.u32 s8, $0xB;
	s7 =	simm.s32 $0x2;
	s9 =	simm.s32 @!p0 $0x0  }
0xa: {  	[sflag:s7] =	ssyncpa.u1 $0x0;
	p0 =	por $0x0, $0x0;
	s8 =	sadd.s32 s9, s8  }
0xb: {  	vm0 =	vmmov $0xffff;
	[sflag:s10] =	ssyncpa.u1 $0x0;
	s10 =	simm.s32 $0x0;
	s9 =	sadd.s32 $0x1, s8  }
.LBB2_4:
0xc: {  	v2 =	vnsel vm1, $0x0, v2  }
0xd: {  	vm1 =	vgt.s32 v0, $0x0;
	v2 =	vmin.u32 v2, $0x186FF  }
0xe: {  	v0 =	vnsel vm1, $0x0, v0  }
0xf: {  	v0 =	vmin.u32 v0, $0x186FF  }
0x10: {  	[tilespmem:s15], [sflag:$0x1] =	stream.indirect_vreg.gather [hbm4b:s4+s10], $0x1, v1, vm0, $0x4038;
	[tilespmem:$0x100] =	vst v63  }
0x11: {  	(ifvalue) =	ssetifvalue $0x7FFFFFFF  }
0x12: {  	[tilespmem:s16], [sflag:$0x1] =	stream.indirect_vreg.gather [hbm4b:s4+s10], $0x1, v2, vm0, $0x4038;
	[tilespmem:$0x100] =	vst v63  }
0x13: {  	s29 =	sadd.s32 $0x10, s16;
	(ifvalue) =	ssetifvalue $0x7FFFFFFF  }
0x14: {  	[tilespmem:s29], [sflag:$0x1] =	stream.indirect_vreg.gather [hbm4b:s4+s10], $0x1, v0, vm0, $0x4038;
	[tilespmem:$0x100] =	vst v63  }
0x15: {  	_ =	swait.ge [sflag:s6], $0x40  }
0x16: {  	s30 =	sshrl.u32 s13, $0x3;
	[sflag:s6] =	ssyncset.done $0x0  }
0x17: {  	s31 =	sand.u32 $0x7, s13;
	s15 =	sadd.s32 s5, s30;
	[sflag:s6] =	ssyncadd.s32 $0xFFFFFFC0  }
0x18: {  	[hbm4b:s15+s31] =	stream.linear.scatter [tilespmem:s14], [sflag:$0x3], $0x40, $0x38;
	[tilespmem:$0x100] =	vst v63  }
.LBB2_5:
0x19: {  	s15 =	sadd.s32 $0x800, s11  }
0x1a: {  	p2 =	sgt.s32 s15, $0x9FF  }
0x1b: {  	s15 =	smov.u32 @p2 s3;
	p2 =	sne.s32 s12, s9  }
.Ltmp1:
0x1c: {  	p1 =	slt.u32 s12, $0x2;
	(pc) =	sbr.rel @!p2 .LBB2_6-.Ltmp1, $4  }
0x1d: {  	s14 =	simm.s32 @!p1 $0x3  }
0x1e: {  	s16 =	sadd.s32 $0x1, s12;
	_ =	swait.ge @!p1 [sflag:s14], $0x40  }
0x1f: {  	s13 =	smov.u32 s11;
	p0 =	por !p0, !p0;
	[sflag:s14] =	ssyncset.done @!p1 $0x0  }
0x20: {  	s12 =	smov.u32 s16;
	s11 =	smov.u32 s15;
	[sflag:s14] =	ssyncadd.s32 @!p1 $0xFFFFFFC0  }
.LBB2_1:
0x21: {  	p1 =	sge.u32 s12, s8  }
0x22: {  	s14 =	sxor.u32 @!p1 $0xFFFFFFFF, s12  }
0x23: {  	s31 =	sadd.s32 $0xFFFFFFFF, s12;
	s15 =	sshrl.u32 @!p1 s11, $0x3;
	s14 =	sshll.u32 @!p1 s14, $0x6  }
0x24: {  	s16 =	sand.u32 @!p1 $0x7, s11;
	s15 =	sadd.s32 @!p1 s2, s15;
	s14 =	sand.u32 @!p1 $0x40, s14  }
0x25: {  	[tilespmem:s14], [sflag:$0x2] =	stream.linear.gather @!p1 [hbm4b:s15+s16], $0x40, $0x38;
	[tilespmem:$0x100] =	vst v63  }
0x26: {  	p1 =	sge.u32 s31, s8  }
.Ltmp2:
0x27: {  	_ = 	snop;
	(pc) =	sbr.rel @p1 .LBB2_5-.Ltmp2, $1  }
0x28: {  	_ =	sdelay $0x3  }
0x29: {  	s14 =	simm.s32 $0x1  }
0x2a: {  	_ =	swait.ge [sflag:s7], $0x40;
	s14 =	simm.s32 @!p0 $0x0  }
0x2b: {  	[sflag:s7] =	ssyncset.done $0x0;
	s14 =	sshll.u32 s14, $0x6  }
0x2c: {  	[sflag:s7] =	ssyncadd.s32 $0xFFFFFFC0;
	(ifvalue) =	ssetifvalue $0x7FFFFFFF;
	v0 =	vld.msk [tilespmem:s14+$0x0 ss:$0x1], $0xffff;
	_ =	sdelay $0x4  }
0x2d: {  	s15 =	sadd.s32 $0x10, s14;
	vm1 =	vgt.s32 v0, $0x0  }
0x2e: {  	v2 =	vld.msk [tilespmem:s15+$0x0 ss:$0x1], $0xffff;
	v1 =	vnsel vm1, $0x0, v0  }
0x2f: {  	v1 =	vmin.u32 v1, $0x186FF;
	_ =	sdelay $0x1  }
0x30: {  	s16 =	sshll.u32 s12, $0x6;
	s18 =	simm.s32 $0x20  }
0x31: {  	s16 =	sand.u32 $0x40, s16;
	s17 =	sadd.s32 $0x10, s15;
	s15 =	sor.u32 $0x80, s14  }
0x32: {  	s14 =	sor.u32 $0x80, s16;
	s16 =	sadd.s32 $0x10, s15;
	v0 =	vld.msk [tilespmem:s17+$0x0 ss:$0x1], $0xffff;
	vm1 =	vgt.s32 v2, $0x0;
	(ifvalue) =	ssetifvalue $0x7FFFFFFF  }
.LBB2_3:
0x33: {  	[tilespmem:s15], [sflag:$0x1] =	stream.indirect_vreg.gather [hbm4b:s4+s10], $0x1, v1, vm0, $0x4038;
	[tilespmem:$0x100] =	vst v63  }
0x34: {  	s18 =	sadd.s32 $0x10, s18  }
0x35: {  	v2 =	vnsel vm1, $0x0, v2;
	p1 =	slt.u32 s18, $0x30  }
.Ltmp3:
0x36: {  	s15 =	smov.u32 s16;
	v1 =	vmin.u32 v2, $0x186FF;
	(pc) =	sbr.rel @p1 .LBB2_3-.Ltmp3, $3  }
0x37: {  	_ =	sdelay $0x1  }
0x38: {  	s17 =	sadd.s32 $0x10, s17  }
0x39: {  	vm1 =	vgt.s32 v0, $0x0;
	s16 =	sadd.s32 $0x10, s16;
	v2 =	vmov v0;
	(ifvalue) =	ssetifvalue $0x7FFFFFFF;
	v0 =	vld.msk [tilespmem:s17+$0x0 ss:$0x1], $0xffff  }
.Ltmp4:
0x3a: {  	_ = 	snop;
	(pc) =	sbr.rel .LBB2_4-.Ltmp4, $1  }
0x3b: {  	_ =	sdelay $0x3  }
.LBB2_6:
0x3c: {  	_ =	sfence.sel $0x180000  }
0x3d: {  	s2 =	simm.s32 $0x2;
	[bflag:$0x0] =	sbarrier.arrive $0xFFFF  }
0x3e: {  	s30 =	simm.s32 $0x3;
	[sflag:s2] =	ssyncpa.u1 $0x1  }
0x3f: {  	s31 =	simm.s32 $0x1;
	[sflag:s30] =	ssyncpa.u1 $0x1  }
0x40: {  	[sflag:s31] =	ssyncpa.u1 $0x1  }
0x41: {  	p0 =	sne.s32 s0, $0x0;
	_ =	strace $0x9000004A  }
0x42: {  	s0 =	sadd.s32 @!p0 $0x100000, s1;
	[bflag:$0x2] =	sbarrier.arrive $0xFFFF  }
0x43: {  	[sflag:s0] =	ssyncadd.tile.s32 @!p0 $0x1;
	_ =	shalt  }
.Lfunc_end2:
_tile_overlayer_lowered:
.L_overlay_start_2:
0x44: {  	(tag) =	ssettag $0x2  }
0x45: {  	s0 =	rddreg [dreg:$0x0];
	s2 =	stileid.u32  }
0x46: {  	s1 =	rddreg [dreg:$0x1];
	p0 =	sne.s32 s2, $0x0  }
0x47: {  	s3 =	rddreg [dreg:$0x2];
	[bflag:$0x3] =	sbarrier.arrive $0xFFFF;
	s2 =	simm.s32 @!p0 $0x1C01  }
0x48: {  	[timem:s3], [sflag:s2] =	dma.local @!p0 [hbm:s0], s1  }
0x49: {  	s0 =	simm.s32 @!p0 $0x1  }
0x4a: {  	_ =	swait.ge @!p0 [sflag:s0], s1  }
0x4b: {  	s1 =	ssub.s32 @!p0 $0x0, s1;
	[sflag:s0] =	ssyncset.done @!p0 $0x0  }
0x4c: {  	[sflag:s0] =	ssyncadd.s32 @!p0 s1  }
0x4d: {  	[bflag:$0x3] =	sbarrier.arrive $0xFFFF  }
0x4e: {  	_ =	shalt  }

</sc_bundles>
